<compile_context>
chip_gen: v7x
topology: tpu7x:2x2x1
jax: 0.10.2.dev20260603
libtpu: 0.0.44.dev20260713+nightly
codegen_flags: <defaults>
</compile_context>

<pallas_src>
import functools
import math

import jax
import jax.numpy as jnp
from jax import lax
from jax.experimental import pallas as pl
from jax.experimental.pallas import tpu as pltpu
from jax.experimental.pallas import tpu_sc as plsc

NC = 2
NS = 16
LANES = 16
CHUNK = 80
CHUNKD = 80
HALF = 5120
NPAD = NC * HALF
TRASH = 128
ACC_ROWS = HALF + TRASH
DW = 128


def _sc_mesh():
    return plsc.VectorSubcoreMesh(
        core_axis_name="c", subcore_axis_name="s", num_cores=NC, num_subcores=NS
    )


def _redirect_body(s_ref, d_ref, os_ref, od_ref):
    s = s_ref[...]
    d = d_ref[...]
    for c in range(NC):
        base = c * HALF
        sl = s - base
        dl = d - base
        os_ref[c] = jnp.where((sl >= 0) & (sl < HALF), sl, HALF)
        od_ref[c] = jnp.where((dl >= 0) & (dl < HALF), dl, HALF)


def _tc_redirect(src2, dst2):
    r, w = src2.shape
    oshape = jax.ShapeDtypeStruct((NC, r, w), jnp.int32)
    return pl.pallas_call(
        _redirect_body,
        out_shape=[oshape, oshape],
    )(src2, dst2)


def _make_degree_kernel(nch):
    out_stripe = HALF // NS
    acc_stripe = ACC_ROWS // NS

    @functools.partial(
        pl.kernel,
        out_type=[
            jax.ShapeDtypeStruct((NC, HALF, DW), jnp.float32),
            jax.ShapeDtypeStruct((NC, HALF, DW), jnp.float32),
        ],
        mesh=_sc_mesh(),
        scratch_types=[
            pltpu.VMEM((nch, CHUNKD), jnp.int32),
            pltpu.VMEM((nch, CHUNKD), jnp.int32),
            pltpu.VMEM((CHUNKD, DW), jnp.float32),
            pltpu.VMEM_SHARED((ACC_ROWS, DW), jnp.float32),
            pltpu.SemaphoreType.DMA,
        ],
    )
    def degree_kernel(srcr_hbm, dstr_hbm, zeros_hbm, ones_hbm, osrc_hbm,
                      odst_hbm, srcr_v, dstr_v, ones_v, acc_sh, sem):
        c = lax.axis_index("c")
        s = lax.axis_index("s")
        wid = c * NS + s

        pltpu.sync_copy(srcr_hbm.at[wid], srcr_v)
        pltpu.sync_copy(dstr_hbm.at[wid], dstr_v)
        pltpu.sync_copy(ones_hbm, ones_v)

        zbase = s * acc_stripe
        base = s * out_stripe

        def one_pass(idx_v, out_hbm):
            pltpu.sync_copy(zeros_hbm.at[pl.ds(zbase, acc_stripe)],
                            acc_sh.at[pl.ds(zbase, acc_stripe)])
            plsc.subcore_barrier()

            for b in range(2):
                pltpu.async_copy(ones_v, acc_sh.at[idx_v.at[b]], sem,
                                 add=True)

            def body(j, carry):
                pltpu.async_copy(ones_v, acc_sh.at[idx_v.at[j + 2]], sem,
                                 add=True)
                pltpu.make_async_copy(ones_v, acc_sh.at[idx_v.at[j]],
                                      sem).wait()
                return carry

            lax.fori_loop(0, nch - 2, body, 0)
            for b in range(2):
                pltpu.make_async_copy(ones_v, acc_sh.at[idx_v.at[b]],
                                      sem).wait()
            plsc.subcore_barrier()
            pltpu.sync_copy(acc_sh.at[pl.ds(base, out_stripe)],
                            out_hbm.at[c, pl.ds(base, out_stripe)])
            plsc.subcore_barrier()

        one_pass(srcr_v, osrc_hbm)
        one_pass(dstr_v, odst_hbm)

    return degree_kernel


def _make_agg_kernel(d, nch):
    out_stripe = HALF // NS
    acc_stripe = ACC_ROWS // NS

    @functools.partial(
        pl.kernel,
        out_type=jax.ShapeDtypeStruct((NC, HALF, d), jnp.float32),
        mesh=_sc_mesh(),
        scratch_types=[
            pltpu.VMEM((nch, CHUNK), jnp.int32),
            pltpu.VMEM((nch, CHUNK), jnp.int32),
            pltpu.VMEM((CHUNK, d), jnp.float32),
            pltpu.VMEM((CHUNK, d), jnp.float32),
            pltpu.VMEM_SHARED((ACC_ROWS, d), jnp.float32),
            pltpu.SemaphoreType.DMA,
            pltpu.SemaphoreType.DMA,
            pltpu.SemaphoreType.DMA,
            pltpu.SemaphoreType.DMA,
        ],
    )
    def agg_kernel(x_hbm, src_hbm, dstr_hbm, zeros_hbm, out_hbm,
                   src_v, dstr_v, rows0_v, rows1_v, acc_sh,
                   sem0, sem1, sem2, sem3):
        c = lax.axis_index("c")
        s = lax.axis_index("s")
        wid = c * NS + s

        pltpu.sync_copy(src_hbm.at[s], src_v)
        pltpu.sync_copy(dstr_hbm.at[wid], dstr_v)

        zbase = s * acc_stripe
        pltpu.sync_copy(zeros_hbm.at[pl.ds(zbase, acc_stripe)],
                        acc_sh.at[pl.ds(zbase, acc_stripe)])

        plsc.subcore_barrier()

        rows = (rows0_v, rows1_v)
        gsem = (sem0, sem1)
        ssem = (sem2, sem3)

        for b in range(2):
            pltpu.async_copy(x_hbm.at[src_v.at[b]], rows[b], gsem[b]).wait()
            pltpu.async_copy(rows[b], acc_sh.at[dstr_v.at[b]], ssem[b],
                             add=True)

        def body(k, carry):
            for b in range(2):
                j = 2 * k + b
                pltpu.make_async_copy(
                    rows[b], acc_sh.at[dstr_v.at[j]], ssem[b]).wait()
                pltpu.async_copy(
                    x_hbm.at[src_v.at[j + 2]], rows[b], gsem[b]).wait()
                pltpu.async_copy(
                    rows[b], acc_sh.at[dstr_v.at[j + 2]], ssem[b], add=True)
            return carry

        lax.fori_loop(0, nch // 2 - 1, body, 0)

        for b in range(2):
            pltpu.make_async_copy(
                rows[b], acc_sh.at[dstr_v.at[b]], ssem[b]).wait()

        plsc.subcore_barrier()

        base = s * out_stripe
        pltpu.sync_copy(acc_sh.at[pl.ds(base, out_stripe)],
                        out_hbm.at[c, pl.ds(base, out_stripe)])

    return agg_kernel


def _norm_body(dps_ref, dpd_ref, ns_ref, nd_ref):
    deg_s = dps_ref[:, 0:1]
    deg_d = dpd_ref[:, 0:1]
    ns_ref[...] = jnp.where(deg_s > 0, lax.rsqrt(jnp.maximum(deg_s, 1.0)), 0.0)
    nd_ref[...] = jnp.where(deg_d > 0, lax.rsqrt(jnp.maximum(deg_d, 1.0)), 0.0)


def _tc_norms(deg_src, deg_dst, block_rows):
    n = deg_src.shape[0]
    grid = n // block_rows
    return pl.pallas_call(
        _norm_body,
        grid=(grid,),
        in_specs=[
            pl.BlockSpec((block_rows, DW), lambda i: (i, 0)),
            pl.BlockSpec((block_rows, DW), lambda i: (i, 0)),
        ],
        out_specs=[
            pl.BlockSpec((block_rows, 1), lambda i: (i, 0)),
            pl.BlockSpec((block_rows, 1), lambda i: (i, 0)),
        ],
        out_shape=[
            jax.ShapeDtypeStruct((n, 1), jnp.float32),
            jax.ShapeDtypeStruct((n, 1), jnp.float32),
        ],
    )(deg_src, deg_dst)


def _scale_body(x_ref, n_ref, o_ref):
    o_ref[...] = x_ref[...] * n_ref[...]


def _tc_scale(x, nvec, block_rows):
    n, d = x.shape
    grid = n // block_rows
    return pl.pallas_call(
        _scale_body,
        grid=(grid,),
        in_specs=[
            pl.BlockSpec((block_rows, d), lambda i: (i, 0)),
            pl.BlockSpec((block_rows, 1), lambda i: (i, 0)),
        ],
        out_specs=pl.BlockSpec((block_rows, d), lambda i: (i, 0)),
        out_shape=jax.ShapeDtypeStruct((n, d), jnp.float32),
    )(x, nvec)


def _layer_body(p_ref, nd_ref, ps_ref, w_ref, b_ref, o_ref):
    agg = p_ref[...] * nd_ref[...]
    y = jnp.dot(agg, w_ref[...], preferred_element_type=jnp.float32) + b_ref[...]
    o_ref[...] = jnp.maximum(y, 0.0) * ps_ref[...]


def _tc_layer(p, norm_dst, post_scale, w, b, block_rows):
    n, d = p.shape
    grid = n // block_rows
    return pl.pallas_call(
        _layer_body,
        grid=(grid,),
        in_specs=[
            pl.BlockSpec((block_rows, d), lambda i: (i, 0)),
            pl.BlockSpec((block_rows, 1), lambda i: (i, 0)),
            pl.BlockSpec((block_rows, 1), lambda i: (i, 0)),
            pl.BlockSpec((d, d), lambda i: (0, 0)),
            pl.BlockSpec((1, d), lambda i: (0, 0)),
        ],
        out_specs=pl.BlockSpec((block_rows, d), lambda i: (i, 0)),
        out_shape=jax.ShapeDtypeStruct((n, d), jnp.float32),
    )(p, norm_dst, post_scale, w, b)


def kernel(features, edge_index, W1, b1, W2, b2):
    n, d = features.shape
    e = edge_index.shape[1]
    assert n <= NPAD and d % 128 == 0

    unit = NS * CHUNK * CHUNKD // math.gcd(CHUNK, CHUNKD)
    ep = -(-e // unit) * unit
    nch = ep // (NS * CHUNK)
    nchd = ep // (NS * CHUNKD)
    src_deg = jnp.pad(edge_index[0], (0, ep - e), constant_values=NPAD)
    dst = jnp.pad(edge_index[1], (0, ep - e), constant_values=NPAD)
    src2 = src_deg.reshape(ep // 128, 128)
    dst2 = dst.reshape(ep // 128, 128)
    srcr, dstr = _tc_redirect(src2, dst2)
    srcr_c = srcr.reshape(NC * NS, nchd, CHUNKD)
    dstr_c = dstr.reshape(NC * NS, nchd, CHUNKD)
    dstr_a = dstr.reshape(NC * NS, nch, CHUNK)
    src_c = jnp.pad(edge_index[0], (0, ep - e)).reshape(NS, nch, CHUNK)

    zeros_deg = jnp.zeros((ACC_ROWS, DW), jnp.float32)
    zeros_agg = jnp.zeros((ACC_ROWS, d), jnp.float32)
    ones_deg = jnp.ones((CHUNKD, DW), jnp.float32)

    block_rows = 2048
    assert NPAD % block_rows == 0
    degp_src, degp_dst = _make_degree_kernel(nchd)(
        srcr_c, dstr_c, zeros_deg, ones_deg)
    norm_src, norm_dst = _tc_norms(
        degp_src.reshape(NPAD, DW), degp_dst.reshape(NPAD, DW), block_rows
    )

    features_p = jnp.pad(features, ((0, NPAD - n), (0, 0)))
    agg = _make_agg_kernel(d, nch)

    x0 = _tc_scale(features_p, norm_src, block_rows)
    p = agg(x0, src_c, dstr_a, zeros_agg)
    h1 = _tc_layer(p.reshape(NPAD, d), norm_dst, norm_src, W1,
                   b1.reshape(1, d), block_rows)
    p2 = agg(h1, src_c, dstr_a, zeros_agg)
    ones = jnp.ones((NPAD, 1), jnp.float32)
    h2 = _tc_layer(p2.reshape(NPAD, d), norm_dst, ones, W2,
                   b2.reshape(1, d), block_rows)
    return h2[:n]

# --- scband reference (transcript-rebuilt; emitter-appended) ---
"""Pipeline reference for scband-gcnsuper-token-515396075767 (READ-ONLY COPY).

The authoritative reference and input builder live on the scoring server;
editing this copy changes nothing except your own understanding.
"""

import jax, jax.numpy as jnp
import numpy as np

N = 10000
E = 320000
D = 128


def setup_inputs(seed: int = 0) -> dict:
    key = jax.random.key(seed)
    k1, k2, k3, k4, k5, k6 = jax.random.split(key, 6)
    features = jax.random.normal(k1, (N, D), dtype=jnp.float32)
    edge_index = jax.random.randint(k2, (2, E), 0, N, dtype=jnp.int32)
    scale = 1.0 / np.sqrt(D)
    W1 = jax.random.normal(k3, (D, D), dtype=jnp.float32) * scale
    b1 = jnp.zeros((D,), dtype=jnp.float32)
    W2 = jax.random.normal(k4, (D, D), dtype=jnp.float32) * scale
    b2 = jnp.zeros((D,), dtype=jnp.float32)
    return {"features": features, "edge_index": edge_index, "W1": W1, "b1": b1, "W2": W2, "b2": b2}


def _gcn_layer(h, src, dst, W, b, n_nodes):
    # DGL GraphConv with norm='both': D_dst^{-1/2} A D_src^{-1/2} h W + b
    ones = jnp.ones((src.shape[0],), dtype=h.dtype)
    deg_out = jax.ops.segment_sum(ones, src, num_segments=n_nodes)
    deg_in = jax.ops.segment_sum(ones, dst, num_segments=n_nodes)
    norm_src = jnp.where(deg_out > 0, jax.lax.rsqrt(jnp.maximum(deg_out, 1.0)), 0.0)
    norm_dst = jnp.where(deg_in > 0, jax.lax.rsqrt(jnp.maximum(deg_in, 1.0)), 0.0)
    h = h * norm_src[:, None]
    msg = jnp.take(h, src, axis=0)
    agg = jax.ops.segment_sum(msg, dst, num_segments=n_nodes)
    agg = agg * norm_dst[:, None]
    return agg @ W + b


def reference(features, edge_index, W1, b1, W2, b2):
    src = edge_index[0]
    dst = edge_index[1]
    n_nodes = features.shape[0]
    h = jax.nn.relu(_gcn_layer(features, src, dst, W1, b1, n_nodes))
    h = jax.nn.relu(_gcn_layer(h, src, dst, W2, b2, n_nodes))
    return h

if __name__ == "__main__":
    import jax
    _d = setup_inputs()
    print(jax.jit(kernel)(*tuple(_d.values())))

</pallas_src>

<mosaic_0001>
#map = affine_map<(d0, d1) -> (0, 0)>
#map1 = affine_map<(d0, d1) -> (0, 0, 0)>
module attributes {stable_mosaic.version = 14 : i64} {
  func.func @agg_kernel(%arg0: i32, %arg1: i32, %arg2: memref<10240x128xf32, #tpu.memory_space<hbm>>, %arg3: memref<16x250x80xi32, #tpu.memory_space<hbm>>, %arg4: memref<32x250x80xi32, #tpu.memory_space<hbm>>, %arg5: memref<5248x128xf32, #tpu.memory_space<hbm>>, %arg6: memref<2x5120x128xf32, #tpu.memory_space<hbm>>, %arg7: memref<250x80xi32, #tpu.memory_space<vmem>>, %arg8: memref<250x80xi32, #tpu.memory_space<vmem>>, %arg9: memref<80x128xf32, #tpu.memory_space<vmem>>, %arg10: memref<80x128xf32, #tpu.memory_space<vmem>>, %arg11: memref<5248x128xf32, #tpu.memory_space<vmem_shared>>, %arg12: memref<!tpu.dma_semaphore, #tpu.memory_space<semaphore_mem>>, %arg13: memref<!tpu.dma_semaphore, #tpu.memory_space<semaphore_mem>>, %arg14: memref<!tpu.dma_semaphore, #tpu.memory_space<semaphore_mem>>, %arg15: memref<!tpu.dma_semaphore, #tpu.memory_space<semaphore_mem>>) attributes {dimension_semantics = [#tpu.dimension_semantics<core_parallel>, #tpu.dimension_semantics<subcore_parallel>], iteration_bounds = array<i64: 2, 16>, scalar_prefetch = 0 : i64, scratch_operands = 9 : i64, tpu.core_type = #tpu.core_type<sc_vector_subcore>, window_params = [{transform_indices = #map}, {transform_indices = #map1}, {transform_indices = #map1}, {transform_indices = #map}, {transform_indices = #map1}]} {
    %mul3A = arith.constant 16 : i32
    %mul3A_0 = arith.muli %arg0, %mul3A : i32
    %add3A = arith.addi %mul3A_0, %arg1 : i32
    "tpu.region"() ({
      %run_scoped3A = tpu.sem_alloc : memref<!tpu.dma_semaphore, #tpu.memory_space<semaphore_mem>>
      %dma_start3A_65 = arith.constant 0 : i32
      %dma_start3A_66 = arith.constant 0 : i32
      %dma_start3A_67 = tpu.memref_slice %arg3[%arg1, %dma_start3A_65, %dma_start3A_66] : memref<16x250x80xi32, #tpu.memory_space<hbm>> -> memref<1x250x80xi32, #tpu.memory_space<hbm>>
      %dma_start3A_68 = tpu.memref_squeeze %dma_start3A_67 : memref<1x250x80xi32, #tpu.memory_space<hbm>> -> memref<250x80xi32, #tpu.memory_space<hbm>>
      %dma_start3A_69 = arith.constant 0 : i32
      %dma_start3A_70 = arith.constant 0 : i32
      %dma_start3A_71 = tpu.memref_slice %arg3[%arg1, %dma_start3A_69, %dma_start3A_70] : memref<16x250x80xi32, #tpu.memory_space<hbm>> -> memref<1x250x80xi32, #tpu.memory_space<hbm>>
      %dma_start3A_72 = tpu.memref_squeeze %dma_start3A_71 : memref<1x250x80xi32, #tpu.memory_space<hbm>> -> memref<250x80xi32, #tpu.memory_space<hbm>>
      tpu.enqueue_dma source(%dma_start3A_72 : memref<250x80xi32, #tpu.memory_space<hbm>>) target(%arg7 : memref<250x80xi32, #tpu.memory_space<vmem>>) target_semaphore(%run_scoped3A : memref<!tpu.dma_semaphore, #tpu.memory_space<semaphore_mem>>)
      %dma_wait3A_73 = arith.constant 0 : i32
      %dma_wait3A_74 = arith.constant 0 : i32
      %dma_wait3A_75 = tpu.memref_slice %arg3[%arg1, %dma_wait3A_73, %dma_wait3A_74] : memref<16x250x80xi32, #tpu.memory_space<hbm>> -> memref<1x250x80xi32, #tpu.memory_space<hbm>>
      %dma_wait3A_76 = tpu.memref_squeeze %dma_wait3A_75 : memref<1x250x80xi32, #tpu.memory_space<hbm>> -> memref<250x80xi32, #tpu.memory_space<hbm>>
      %dma_wait3A_77 = arith.constant 0 : i32
      %dma_wait3A_78 = arith.constant 0 : i32
      %dma_wait3A_79 = tpu.memref_slice %arg3[%arg1, %dma_wait3A_77, %dma_wait3A_78] : memref<16x250x80xi32, #tpu.memory_space<hbm>> -> memref<1x250x80xi32, #tpu.memory_space<hbm>>
      %dma_wait3A_80 = tpu.memref_squeeze %dma_wait3A_79 : memref<1x250x80xi32, #tpu.memory_space<hbm>> -> memref<250x80xi32, #tpu.memory_space<hbm>>
      tpu.wait_dma2 semaphore(%run_scoped3A : memref<!tpu.dma_semaphore, #tpu.memory_space<semaphore_mem>>) src(%dma_wait3A_80 : memref<250x80xi32, #tpu.memory_space<hbm>>) dst(%arg7 : memref<250x80xi32, #tpu.memory_space<vmem>>)
      tpu.yield
    }) : () -> ()
    "tpu.region"() ({
      %run_scoped3A = tpu.sem_alloc : memref<!tpu.dma_semaphore, #tpu.memory_space<semaphore_mem>>
      %dma_start3A_65 = arith.constant 0 : i32
      %dma_start3A_66 = arith.constant 0 : i32
      %dma_start3A_67 = tpu.memref_slice %arg4[%add3A, %dma_start3A_65, %dma_start3A_66] : memref<32x250x80xi32, #tpu.memory_space<hbm>> -> memref<1x250x80xi32, #tpu.memory_space<hbm>>
      %dma_start3A_68 = tpu.memref_squeeze %dma_start3A_67 : memref<1x250x80xi32, #tpu.memory_space<hbm>> -> memref<250x80xi32, #tpu.memory_space<hbm>>
      %dma_start3A_69 = arith.constant 0 : i32
      %dma_start3A_70 = arith.constant 0 : i32
      %dma_start3A_71 = tpu.memref_slice %arg4[%add3A, %dma_start3A_69, %dma_start3A_70] : memref<32x250x80xi32, #tpu.memory_space<hbm>> -> memref<1x250x80xi32, #tpu.memory_space<hbm>>
      %dma_start3A_72 = tpu.memref_squeeze %dma_start3A_71 : memref<1x250x80xi32, #tpu.memory_space<hbm>> -> memref<250x80xi32, #tpu.memory_space<hbm>>
      tpu.enqueue_dma source(%dma_start3A_72 : memref<250x80xi32, #tpu.memory_space<hbm>>) target(%arg8 : memref<250x80xi32, #tpu.memory_space<vmem>>) target_semaphore(%run_scoped3A : memref<!tpu.dma_semaphore, #tpu.memory_space<semaphore_mem>>)
      %dma_wait3A_73 = arith.constant 0 : i32
      %dma_wait3A_74 = arith.constant 0 : i32
      %dma_wait3A_75 = tpu.memref_slice %arg4[%add3A, %dma_wait3A_73, %dma_wait3A_74] : memref<32x250x80xi32, #tpu.memory_space<hbm>> -> memref<1x250x80xi32, #tpu.memory_space<hbm>>
      %dma_wait3A_76 = tpu.memref_squeeze %dma_wait3A_75 : memref<1x250x80xi32, #tpu.memory_space<hbm>> -> memref<250x80xi32, #tpu.memory_space<hbm>>
      %dma_wait3A_77 = arith.constant 0 : i32
      %dma_wait3A_78 = arith.constant 0 : i32
      %dma_wait3A_79 = tpu.memref_slice %arg4[%add3A, %dma_wait3A_77, %dma_wait3A_78] : memref<32x250x80xi32, #tpu.memory_space<hbm>> -> memref<1x250x80xi32, #tpu.memory_space<hbm>>
      %dma_wait3A_80 = tpu.memref_squeeze %dma_wait3A_79 : memref<1x250x80xi32, #tpu.memory_space<hbm>> -> memref<250x80xi32, #tpu.memory_space<hbm>>
      tpu.wait_dma2 semaphore(%run_scoped3A : memref<!tpu.dma_semaphore, #tpu.memory_space<semaphore_mem>>) src(%dma_wait3A_80 : memref<250x80xi32, #tpu.memory_space<hbm>>) dst(%arg8 : memref<250x80xi32, #tpu.memory_space<vmem>>)
      tpu.yield
    }) : () -> ()
    %mul3A_1 = arith.constant 328 : i32
    %mul3A_2 = arith.muli %arg1, %mul3A_1 : i32
    "tpu.region"() ({
      %run_scoped3A = tpu.sem_alloc : memref<!tpu.dma_semaphore, #tpu.memory_space<semaphore_mem>>
      %dma_start3A_65 = arith.constant 0 : i32
      %dma_start3A_66 = tpu.memref_slice %arg11[%mul3A_2, %dma_start3A_65] : memref<5248x128xf32, #tpu.memory_space<vmem_shared>> -> memref<328x128xf32, #tpu.memory_space<vmem_shared>>
      %dma_start3A_67 = arith.constant 0 : i32
      %dma_start3A_68 = tpu.memref_slice %arg5[%mul3A_2, %dma_start3A_67] : memref<5248x128xf32, #tpu.memory_space<hbm>> -> memref<328x128xf32, #tpu.memory_space<hbm>>
      tpu.enqueue_dma source(%dma_start3A_68 : memref<328x128xf32, #tpu.memory_space<hbm>>) target(%dma_start3A_66 : memref<328x128xf32, #tpu.memory_space<vmem_shared>>) target_semaphore(%run_scoped3A : memref<!tpu.dma_semaphore, #tpu.memory_space<semaphore_mem>>)
      %dma_wait3A_69 = arith.constant 0 : i32
      %dma_wait3A_70 = tpu.memref_slice %arg11[%mul3A_2, %dma_wait3A_69] : memref<5248x128xf32, #tpu.memory_space<vmem_shared>> -> memref<328x128xf32, #tpu.memory_space<vmem_shared>>
      %dma_wait3A_71 = arith.constant 0 : i32
      %dma_wait3A_72 = tpu.memref_slice %arg5[%mul3A_2, %dma_wait3A_71] : memref<5248x128xf32, #tpu.memory_space<hbm>> -> memref<328x128xf32, #tpu.memory_space<hbm>>
      tpu.wait_dma2 semaphore(%run_scoped3A : memref<!tpu.dma_semaphore, #tpu.memory_space<semaphore_mem>>) src(%dma_wait3A_72 : memref<328x128xf32, #tpu.memory_space<hbm>>) dst(%dma_wait3A_70 : memref<328x128xf32, #tpu.memory_space<vmem_shared>>)
      tpu.yield
    }) : () -> ()
    %barrier3A = arith.constant 0 : index
    tpu.barrier barrier_id(%barrier3A)
    %dma_start3A = arith.constant 0 : i32
    %dma_start3A_3 = arith.constant 0 : i32
    %dma_start3A_4 = tpu.memref_slice %arg7[%dma_start3A, %dma_start3A_3] : memref<250x80xi32, #tpu.memory_space<vmem>> -> memref<1x80xi32, #tpu.memory_space<vmem>>
    %dma_start3A_5 = tpu.memref_squeeze %dma_start3A_4 : memref<1x80xi32, #tpu.memory_space<vmem>> -> memref<80xi32, #tpu.memory_space<vmem>>
    %dma_start3A_6 = arith.constant 0 : i32
    %dma_start3A_7 = arith.constant 0 : i32
    %dma_start3A_8 = tpu.memref_slice %arg2[%dma_start3A_6, %dma_start3A_7] : memref<10240x128xf32, #tpu.memory_space<hbm>> -> memref<10240x128xf32, #tpu.memory_space<hbm>>
    tpu.enqueue_indirect_dma source(%dma_start3A_8 : memref<10240x128xf32, #tpu.memory_space<hbm>>) target(%arg9 : memref<80x128xf32, #tpu.memory_space<vmem>>) offsets(%dma_start3A_5 : memref<80xi32, #tpu.memory_space<vmem>>) semaphore(%arg12 : memref<!tpu.dma_semaphore, #tpu.memory_space<semaphore_mem>>)
    %dma_wait3A = arith.constant 0 : i32
    %dma_wait3A_9 = arith.constant 0 : i32
    %dma_wait3A_10 = tpu.memref_slice %arg7[%dma_wait3A, %dma_wait3A_9] : memref<250x80xi32, #tpu.memory_space<vmem>> -> memref<1x80xi32, #tpu.memory_space<vmem>>
    %dma_wait3A_11 = tpu.memref_squeeze %dma_wait3A_10 : memref<1x80xi32, #tpu.memory_space<vmem>> -> memref<80xi32, #tpu.memory_space<vmem>>
    %dma_wait3A_12 = arith.constant 0 : i32
    %dma_wait3A_13 = arith.constant 0 : i32
    %dma_wait3A_14 = tpu.memref_slice %arg2[%dma_wait3A_12, %dma_wait3A_13] : memref<10240x128xf32, #tpu.memory_space<hbm>> -> memref<10240x128xf32, #tpu.memory_space<hbm>>
    tpu.wait_indirect_dma semaphore(%arg12 : memref<!tpu.dma_semaphore, #tpu.memory_space<semaphore_mem>>) src(%dma_wait3A_14 : memref<10240x128xf32, #tpu.memory_space<hbm>>) dst(%arg9 : memref<80x128xf32, #tpu.memory_space<vmem>>)
    %dma_start3A_15 = arith.constant 0 : i32
    %dma_start3A_16 = arith.constant 0 : i32
    %dma_start3A_17 = tpu.memref_slice %arg8[%dma_start3A_15, %dma_start3A_16] : memref<250x80xi32, #tpu.memory_space<vmem>> -> memref<1x80xi32, #tpu.memory_space<vmem>>
    %dma_start3A_18 = tpu.memref_squeeze %dma_start3A_17 : memref<1x80xi32, #tpu.memory_space<vmem>> -> memref<80xi32, #tpu.memory_space<vmem>>
    %dma_start3A_19 = arith.constant 0 : i32
    %dma_start3A_20 = arith.constant 0 : i32
    %dma_start3A_21 = tpu.memref_slice %arg11[%dma_start3A_19, %dma_start3A_20] : memref<5248x128xf32, #tpu.memory_space<vmem_shared>> -> memref<5248x128xf32, #tpu.memory_space<vmem_shared>>
    tpu.enqueue_indirect_dma source(%arg9 : memref<80x128xf32, #tpu.memory_space<vmem>>) target(%dma_start3A_21 : memref<5248x128xf32, #tpu.memory_space<vmem_shared>>) offsets(%dma_start3A_18 : memref<80xi32, #tpu.memory_space<vmem>>) semaphore(%arg14 : memref<!tpu.dma_semaphore, #tpu.memory_space<semaphore_mem>>) {add = true}
    %dma_start3A_22 = arith.constant 1 : i32
    %dma_start3A_23 = arith.constant 0 : i32
    %dma_start3A_24 = tpu.memref_slice %arg7[%dma_start3A_22, %dma_start3A_23] : memref<250x80xi32, #tpu.memory_space<vmem>> -> memref<1x80xi32, #tpu.memory_space<vmem>>
    %dma_start3A_25 = tpu.memref_squeeze %dma_start3A_24 : memref<1x80xi32, #tpu.memory_space<vmem>> -> memref<80xi32, #tpu.memory_space<vmem>>
    %dma_start3A_26 = arith.constant 0 : i32
    %dma_start3A_27 = arith.constant 0 : i32
    %dma_start3A_28 = tpu.memref_slice %arg2[%dma_start3A_26, %dma_start3A_27] : memref<10240x128xf32, #tpu.memory_space<hbm>> -> memref<10240x128xf32, #tpu.memory_space<hbm>>
    tpu.enqueue_indirect_dma source(%dma_start3A_28 : memref<10240x128xf32, #tpu.memory_space<hbm>>) target(%arg10 : memref<80x128xf32, #tpu.memory_space<vmem>>) offsets(%dma_start3A_25 : memref<80xi32, #tpu.memory_space<vmem>>) semaphore(%arg13 : memref<!tpu.dma_semaphore, #tpu.memory_space<semaphore_mem>>)
    %dma_wait3A_29 = arith.constant 1 : i32
    %dma_wait3A_30 = arith.constant 0 : i32
    %dma_wait3A_31 = tpu.memref_slice %arg7[%dma_wait3A_29, %dma_wait3A_30] : memref<250x80xi32, #tpu.memory_space<vmem>> -> memref<1x80xi32, #tpu.memory_space<vmem>>
    %dma_wait3A_32 = tpu.memref_squeeze %dma_wait3A_31 : memref<1x80xi32, #tpu.memory_space<vmem>> -> memref<80xi32, #tpu.memory_space<vmem>>
    %dma_wait3A_33 = arith.constant 0 : i32
    %dma_wait3A_34 = arith.constant 0 : i32
    %dma_wait3A_35 = tpu.memref_slice %arg2[%dma_wait3A_33, %dma_wait3A_34] : memref<10240x128xf32, #tpu.memory_space<hbm>> -> memref<10240x128xf32, #tpu.memory_space<hbm>>
    tpu.wait_indirect_dma semaphore(%arg13 : memref<!tpu.dma_semaphore, #tpu.memory_space<semaphore_mem>>) src(%dma_wait3A_35 : memref<10240x128xf32, #tpu.memory_space<hbm>>) dst(%arg10 : memref<80x128xf32, #tpu.memory_space<vmem>>)
    %dma_start3A_36 = arith.constant 1 : i32
    %dma_start3A_37 = arith.constant 0 : i32
    %dma_start3A_38 = tpu.memref_slice %arg8[%dma_start3A_36, %dma_start3A_37] : memref<250x80xi32, #tpu.memory_space<vmem>> -> memref<1x80xi32, #tpu.memory_space<vmem>>
    %dma_start3A_39 = tpu.memref_squeeze %dma_start3A_38 : memref<1x80xi32, #tpu.memory_space<vmem>> -> memref<80xi32, #tpu.memory_space<vmem>>
    %dma_start3A_40 = arith.constant 0 : i32
    %dma_start3A_41 = arith.constant 0 : i32
    %dma_start3A_42 = tpu.memref_slice %arg11[%dma_start3A_40, %dma_start3A_41] : memref<5248x128xf32, #tpu.memory_space<vmem_shared>> -> memref<5248x128xf32, #tpu.memory_space<vmem_shared>>
    tpu.enqueue_indirect_dma source(%arg10 : memref<80x128xf32, #tpu.memory_space<vmem>>) target(%dma_start3A_42 : memref<5248x128xf32, #tpu.memory_space<vmem_shared>>) offsets(%dma_start3A_39 : memref<80xi32, #tpu.memory_space<vmem>>) semaphore(%arg15 : memref<!tpu.dma_semaphore, #tpu.memory_space<semaphore_mem>>) {add = true}
    %scan3A = arith.constant 0 : i32
    %scan3A_43 = arith.constant 0 : i32
    %scan3A_44 = arith.constant 124 : i32
    %scan3A_45 = arith.addi %scan3A_43, %scan3A_44 : i32
    %scan3A_46 = arith.constant 1 : i32
    scf.for %scan3A_65 = %scan3A_43 to %scan3A_45 step %scan3A_46  : i32 {
      %mul3A_66 = arith.constant 2 : i32
      %mul3A_67 = arith.muli %mul3A_66, %scan3A_65 : i32
      %add3A_68 = arith.constant 0 : i32
      %add3A_69 = arith.addi %mul3A_67, %add3A_68 : i32
      %dma_wait3A_70 = arith.constant 0 : i32
      %dma_wait3A_71 = tpu.memref_slice %arg8[%add3A_69, %dma_wait3A_70] : memref<250x80xi32, #tpu.memory_space<vmem>> -> memref<1x80xi32, #tpu.memory_space<vmem>>
      %dma_wait3A_72 = tpu.memref_squeeze %dma_wait3A_71 : memref<1x80xi32, #tpu.memory_space<vmem>> -> memref<80xi32, #tpu.memory_space<vmem>>
      %dma_wait3A_73 = arith.constant 0 : i32
      %dma_wait3A_74 = arith.constant 0 : i32
      %dma_wait3A_75 = tpu.memref_slice %arg11[%dma_wait3A_73, %dma_wait3A_74] : memref<5248x128xf32, #tpu.memory_space<vmem_shared>> -> memref<5248x128xf32, #tpu.memory_space<vmem_shared>>
      tpu.wait_indirect_dma semaphore(%arg14 : memref<!tpu.dma_semaphore, #tpu.memory_space<semaphore_mem>>) src(%arg9 : memref<80x128xf32, #tpu.memory_space<vmem>>) dst(%dma_wait3A_75 : memref<5248x128xf32, #tpu.memory_space<vmem_shared>>)
      %add3A_76 = arith.constant 2 : i32
      %add3A_77 = arith.addi %add3A_69, %add3A_76 : i32
      %dma_start3A_78 = arith.constant 0 : i32
      %dma_start3A_79 = tpu.memref_slice %arg7[%add3A_77, %dma_start3A_78] : memref<250x80xi32, #tpu.memory_space<vmem>> -> memref<1x80xi32, #tpu.memory_space<vmem>>
      %dma_start3A_80 = tpu.memref_squeeze %dma_start3A_79 : memref<1x80xi32, #tpu.memory_space<vmem>> -> memref<80xi32, #tpu.memory_space<vmem>>
      %dma_start3A_81 = arith.constant 0 : i32
      %dma_start3A_82 = arith.constant 0 : i32
      %dma_start3A_83 = tpu.memref_slice %arg2[%dma_start3A_81, %dma_start3A_82] : memref<10240x128xf32, #tpu.memory_space<hbm>> -> memref<10240x128xf32, #tpu.memory_space<hbm>>
      tpu.enqueue_indirect_dma source(%dma_start3A_83 : memref<10240x128xf32, #tpu.memory_space<hbm>>) target(%arg9 : memref<80x128xf32, #tpu.memory_space<vmem>>) offsets(%dma_start3A_80 : memref<80xi32, #tpu.memory_space<vmem>>) semaphore(%arg12 : memref<!tpu.dma_semaphore, #tpu.memory_space<semaphore_mem>>)
      %dma_wait3A_84 = arith.constant 0 : i32
      %dma_wait3A_85 = tpu.memref_slice %arg7[%add3A_77, %dma_wait3A_84] : memref<250x80xi32, #tpu.memory_space<vmem>> -> memref<1x80xi32, #tpu.memory_space<vmem>>
      %dma_wait3A_86 = tpu.memref_squeeze %dma_wait3A_85 : memref<1x80xi32, #tpu.memory_space<vmem>> -> memref<80xi32, #tpu.memory_space<vmem>>
      %dma_wait3A_87 = arith.constant 0 : i32
      %dma_wait3A_88 = arith.constant 0 : i32
      %dma_wait3A_89 = tpu.memref_slice %arg2[%dma_wait3A_87, %dma_wait3A_88] : memref<10240x128xf32, #tpu.memory_space<hbm>> -> memref<10240x128xf32, #tpu.memory_space<hbm>>
      tpu.wait_indirect_dma semaphore(%arg12 : memref<!tpu.dma_semaphore, #tpu.memory_space<semaphore_mem>>) src(%dma_wait3A_89 : memref<10240x128xf32, #tpu.memory_space<hbm>>) dst(%arg9 : memref<80x128xf32, #tpu.memory_space<vmem>>)
      %add3A_90 = arith.constant 2 : i32
      %add3A_91 = arith.addi %add3A_69, %add3A_90 : i32
      %dma_start3A_92 = arith.constant 0 : i32
      %dma_start3A_93 = tpu.memref_slice %arg8[%add3A_91, %dma_start3A_92] : memref<250x80xi32, #tpu.memory_space<vmem>> -> memref<1x80xi32, #tpu.memory_space<vmem>>
      %dma_start3A_94 = tpu.memref_squeeze %dma_start3A_93 : memref<1x80xi32, #tpu.memory_space<vmem>> -> memref<80xi32, #tpu.memory_space<vmem>>
      %dma_start3A_95 = arith.constant 0 : i32
      %dma_start3A_96 = arith.constant 0 : i32
      %dma_start3A_97 = tpu.memref_slice %arg11[%dma_start3A_95, %dma_start3A_96] : memref<5248x128xf32, #tpu.memory_space<vmem_shared>> -> memref<5248x128xf32, #tpu.memory_space<vmem_shared>>
      tpu.enqueue_indirect_dma source(%arg9 : memref<80x128xf32, #tpu.memory_space<vmem>>) target(%dma_start3A_97 : memref<5248x128xf32, #tpu.memory_space<vmem_shared>>) offsets(%dma_start3A_94 : memref<80xi32, #tpu.memory_space<vmem>>) semaphore(%arg14 : memref<!tpu.dma_semaphore, #tpu.memory_space<semaphore_mem>>) {add = true}
      %mul3A_98 = arith.constant 2 : i32
      %mul3A_99 = arith.muli %mul3A_98, %scan3A_65 : i32
      %add3A_100 = arith.constant 1 : i32
      %add3A_101 = arith.addi %mul3A_99, %add3A_100 : i32
      %dma_wait3A_102 = arith.constant 0 : i32
      %dma_wait3A_103 = tpu.memref_slice %arg8[%add3A_101, %dma_wait3A_102] : memref<250x80xi32, #tpu.memory_space<vmem>> -> memref<1x80xi32, #tpu.memory_space<vmem>>
      %dma_wait3A_104 = tpu.memref_squeeze %dma_wait3A_103 : memref<1x80xi32, #tpu.memory_space<vmem>> -> memref<80xi32, #tpu.memory_space<vmem>>
      %dma_wait3A_105 = arith.constant 0 : i32
      %dma_wait3A_106 = arith.constant 0 : i32
      %dma_wait3A_107 = tpu.memref_slice %arg11[%dma_wait3A_105, %dma_wait3A_106] : memref<5248x128xf32, #tpu.memory_space<vmem_shared>> -> memref<5248x128xf32, #tpu.memory_space<vmem_shared>>
      tpu.wait_indirect_dma semaphore(%arg15 : memref<!tpu.dma_semaphore, #tpu.memory_space<semaphore_mem>>) src(%arg10 : memref<80x128xf32, #tpu.memory_space<vmem>>) dst(%dma_wait3A_107 : memref<5248x128xf32, #tpu.memory_space<vmem_shared>>)
      %add3A_108 = arith.constant 2 : i32
      %add3A_109 = arith.addi %add3A_101, %add3A_108 : i32
      %dma_start3A_110 = arith.constant 0 : i32
      %dma_start3A_111 = tpu.memref_slice %arg7[%add3A_109, %dma_start3A_110] : memref<250x80xi32, #tpu.memory_space<vmem>> -> memref<1x80xi32, #tpu.memory_space<vmem>>
      %dma_start3A_112 = tpu.memref_squeeze %dma_start3A_111 : memref<1x80xi32, #tpu.memory_space<vmem>> -> memref<80xi32, #tpu.memory_space<vmem>>
      %dma_start3A_113 = arith.constant 0 : i32
      %dma_start3A_114 = arith.constant 0 : i32
      %dma_start3A_115 = tpu.memref_slice %arg2[%dma_start3A_113, %dma_start3A_114] : memref<10240x128xf32, #tpu.memory_space<hbm>> -> memref<10240x128xf32, #tpu.memory_space<hbm>>
      tpu.enqueue_indirect_dma source(%dma_start3A_115 : memref<10240x128xf32, #tpu.memory_space<hbm>>) target(%arg10 : memref<80x128xf32, #tpu.memory_space<vmem>>) offsets(%dma_start3A_112 : memref<80xi32, #tpu.memory_space<vmem>>) semaphore(%arg13 : memref<!tpu.dma_semaphore, #tpu.memory_space<semaphore_mem>>)
      %dma_wait3A_116 = arith.constant 0 : i32
      %dma_wait3A_117 = tpu.memref_slice %arg7[%add3A_109, %dma_wait3A_116] : memref<250x80xi32, #tpu.memory_space<vmem>> -> memref<1x80xi32, #tpu.memory_space<vmem>>
      %dma_wait3A_118 = tpu.memref_squeeze %dma_wait3A_117 : memref<1x80xi32, #tpu.memory_space<vmem>> -> memref<80xi32, #tpu.memory_space<vmem>>
      %dma_wait3A_119 = arith.constant 0 : i32
      %dma_wait3A_120 = arith.constant 0 : i32
      %dma_wait3A_121 = tpu.memref_slice %arg2[%dma_wait3A_119, %dma_wait3A_120] : memref<10240x128xf32, #tpu.memory_space<hbm>> -> memref<10240x128xf32, #tpu.memory_space<hbm>>
      tpu.wait_indirect_dma semaphore(%arg13 : memref<!tpu.dma_semaphore, #tpu.memory_space<semaphore_mem>>) src(%dma_wait3A_121 : memref<10240x128xf32, #tpu.memory_space<hbm>>) dst(%arg10 : memref<80x128xf32, #tpu.memory_space<vmem>>)
      %add3A_122 = arith.constant 2 : i32
      %add3A_123 = arith.addi %add3A_101, %add3A_122 : i32
      %dma_start3A_124 = arith.constant 0 : i32
      %dma_start3A_125 = tpu.memref_slice %arg8[%add3A_123, %dma_start3A_124] : memref<250x80xi32, #tpu.memory_space<vmem>> -> memref<1x80xi32, #tpu.memory_space<vmem>>
      %dma_start3A_126 = tpu.memref_squeeze %dma_start3A_125 : memref<1x80xi32, #tpu.memory_space<vmem>> -> memref<80xi32, #tpu.memory_space<vmem>>
      %dma_start3A_127 = arith.constant 0 : i32
      %dma_start3A_128 = arith.constant 0 : i32
      %dma_start3A_129 = tpu.memref_slice %arg11[%dma_start3A_127, %dma_start3A_128] : memref<5248x128xf32, #tpu.memory_space<vmem_shared>> -> memref<5248x128xf32, #tpu.memory_space<vmem_shared>>
      tpu.enqueue_indirect_dma source(%arg10 : memref<80x128xf32, #tpu.memory_space<vmem>>) target(%dma_start3A_129 : memref<5248x128xf32, #tpu.memory_space<vmem_shared>>) offsets(%dma_start3A_126 : memref<80xi32, #tpu.memory_space<vmem>>) semaphore(%arg15 : memref<!tpu.dma_semaphore, #tpu.memory_space<semaphore_mem>>) {add = true}
    }
    %scan3A_47 = arith.constant 124 : i32
    %dma_wait3A_48 = arith.constant 0 : i32
    %dma_wait3A_49 = arith.constant 0 : i32
    %dma_wait3A_50 = tpu.memref_slice %arg8[%dma_wait3A_48, %dma_wait3A_49] : memref<250x80xi32, #tpu.memory_space<vmem>> -> memref<1x80xi32, #tpu.memory_space<vmem>>
    %dma_wait3A_51 = tpu.memref_squeeze %dma_wait3A_50 : memref<1x80xi32, #tpu.memory_space<vmem>> -> memref<80xi32, #tpu.memory_space<vmem>>
    %dma_wait3A_52 = arith.constant 0 : i32
    %dma_wait3A_53 = arith.constant 0 : i32
    %dma_wait3A_54 = tpu.memref_slice %arg11[%dma_wait3A_52, %dma_wait3A_53] : memref<5248x128xf32, #tpu.memory_space<vmem_shared>> -> memref<5248x128xf32, #tpu.memory_space<vmem_shared>>
    tpu.wait_indirect_dma semaphore(%arg14 : memref<!tpu.dma_semaphore, #tpu.memory_space<semaphore_mem>>) src(%arg9 : memref<80x128xf32, #tpu.memory_space<vmem>>) dst(%dma_wait3A_54 : memref<5248x128xf32, #tpu.memory_space<vmem_shared>>)
    %dma_wait3A_55 = arith.constant 1 : i32
    %dma_wait3A_56 = arith.constant 0 : i32
    %dma_wait3A_57 = tpu.memref_slice %arg8[%dma_wait3A_55, %dma_wait3A_56] : memref<250x80xi32, #tpu.memory_space<vmem>> -> memref<1x80xi32, #tpu.memory_space<vmem>>
    %dma_wait3A_58 = tpu.memref_squeeze %dma_wait3A_57 : memref<1x80xi32, #tpu.memory_space<vmem>> -> memref<80xi32, #tpu.memory_space<vmem>>
    %dma_wait3A_59 = arith.constant 0 : i32
    %dma_wait3A_60 = arith.constant 0 : i32
    %dma_wait3A_61 = tpu.memref_slice %arg11[%dma_wait3A_59, %dma_wait3A_60] : memref<5248x128xf32, #tpu.memory_space<vmem_shared>> -> memref<5248x128xf32, #tpu.memory_space<vmem_shared>>
    tpu.wait_indirect_dma semaphore(%arg15 : memref<!tpu.dma_semaphore, #tpu.memory_space<semaphore_mem>>) src(%arg10 : memref<80x128xf32, #tpu.memory_space<vmem>>) dst(%dma_wait3A_61 : memref<5248x128xf32, #tpu.memory_space<vmem_shared>>)
    %barrier3A_62 = arith.constant 0 : index
    tpu.barrier barrier_id(%barrier3A_62)
    %mul3A_63 = arith.constant 320 : i32
    %mul3A_64 = arith.muli %arg1, %mul3A_63 : i32
    "tpu.region"() ({
      %run_scoped3A = tpu.sem_alloc : memref<!tpu.dma_semaphore, #tpu.memory_space<semaphore_mem>>
      %dma_start3A_65 = arith.constant 0 : i32
      %dma_start3A_66 = tpu.memref_slice %arg6[%arg0, %mul3A_64, %dma_start3A_65] : memref<2x5120x128xf32, #tpu.memory_space<hbm>> -> memref<1x320x128xf32, #tpu.memory_space<hbm>>
      %dma_start3A_67 = tpu.memref_squeeze %dma_start3A_66 : memref<1x320x128xf32, #tpu.memory_space<hbm>> -> memref<320x128xf32, #tpu.memory_space<hbm>>
      %dma_start3A_68 = arith.constant 0 : i32
      %dma_start3A_69 = tpu.memref_slice %arg11[%mul3A_64, %dma_start3A_68] : memref<5248x128xf32, #tpu.memory_space<vmem_shared>> -> memref<320x128xf32, #tpu.memory_space<vmem_shared>>
      tpu.enqueue_dma source(%dma_start3A_69 : memref<320x128xf32, #tpu.memory_space<vmem_shared>>) target(%dma_start3A_67 : memref<320x128xf32, #tpu.memory_space<hbm>>) target_semaphore(%run_scoped3A : memref<!tpu.dma_semaphore, #tpu.memory_space<semaphore_mem>>)
      %dma_wait3A_70 = arith.constant 0 : i32
      %dma_wait3A_71 = tpu.memref_slice %arg6[%arg0, %mul3A_64, %dma_wait3A_70] : memref<2x5120x128xf32, #tpu.memory_space<hbm>> -> memref<1x320x128xf32, #tpu.memory_space<hbm>>
      %dma_wait3A_72 = tpu.memref_squeeze %dma_wait3A_71 : memref<1x320x128xf32, #tpu.memory_space<hbm>> -> memref<320x128xf32, #tpu.memory_space<hbm>>
      %dma_wait3A_73 = arith.constant 0 : i32
      %dma_wait3A_74 = tpu.memref_slice %arg11[%mul3A_64, %dma_wait3A_73] : memref<5248x128xf32, #tpu.memory_space<vmem_shared>> -> memref<320x128xf32, #tpu.memory_space<vmem_shared>>
      tpu.wait_dma2 semaphore(%run_scoped3A : memref<!tpu.dma_semaphore, #tpu.memory_space<semaphore_mem>>) src(%dma_wait3A_74 : memref<320x128xf32, #tpu.memory_space<vmem_shared>>) dst(%dma_wait3A_72 : memref<320x128xf32, #tpu.memory_space<hbm>>)
      tpu.yield
    }) : () -> ()
    return
  }
}

#map = affine_map<(d0, d1) -> (0, 0, 0)>
#map1 = affine_map<(d0, d1) -> (0, 0)>
module attributes {stable_mosaic.version = 14 : i64} {
  func.func @degree_kernel(%arg0: i32, %arg1: i32, %arg2: memref<32x250x80xi32, #tpu.memory_space<hbm>>, %arg3: memref<32x250x80xi32, #tpu.memory_space<hbm>>, %arg4: memref<5248x128xf32, #tpu.memory_space<hbm>>, %arg5: memref<80x128xf32, #tpu.memory_space<hbm>>, %arg6: memref<2x5120x128xf32, #tpu.memory_space<hbm>>, %arg7: memref<2x5120x128xf32, #tpu.memory_space<hbm>>, %arg8: memref<250x80xi32, #tpu.memory_space<vmem>>, %arg9: memref<250x80xi32, #tpu.memory_space<vmem>>, %arg10: memref<80x128xf32, #tpu.memory_space<vmem>>, %arg11: memref<5248x128xf32, #tpu.memory_space<vmem_shared>>, %arg12: memref<!tpu.dma_semaphore, #tpu.memory_space<semaphore_mem>>) attributes {dimension_semantics = [#tpu.dimension_semantics<core_parallel>, #tpu.dimension_semantics<subcore_parallel>], iteration_bounds = array<i64: 2, 16>, scalar_prefetch = 0 : i64, scratch_operands = 5 : i64, tpu.core_type = #tpu.core_type<sc_vector_subcore>, window_params = [{transform_indices = #map}, {transform_indices = #map}, {transform_indices = #map1}, {transform_indices = #map1}, {transform_indices = #map}, {transform_indices = #map}]} {
    %mul3A = arith.constant 16 : i32
    %mul3A_0 = arith.muli %arg0, %mul3A : i32
    %add3A = arith.addi %mul3A_0, %arg1 : i32
    "tpu.region"() ({
      %run_scoped3A = tpu.sem_alloc : memref<!tpu.dma_semaphore, #tpu.memory_space<semaphore_mem>>
      %dma_start3A_75 = arith.constant 0 : i32
      %dma_start3A_76 = arith.constant 0 : i32
      %dma_start3A_77 = tpu.memref_slice %arg2[%add3A, %dma_start3A_75, %dma_start3A_76] : memref<32x250x80xi32, #tpu.memory_space<hbm>> -> memref<1x250x80xi32, #tpu.memory_space<hbm>>
      %dma_start3A_78 = tpu.memref_squeeze %dma_start3A_77 : memref<1x250x80xi32, #tpu.memory_space<hbm>> -> memref<250x80xi32, #tpu.memory_space<hbm>>
      %dma_start3A_79 = arith.constant 0 : i32
      %dma_start3A_80 = arith.constant 0 : i32
      %dma_start3A_81 = tpu.memref_slice %arg2[%add3A, %dma_start3A_79, %dma_start3A_80] : memref<32x250x80xi32, #tpu.memory_space<hbm>> -> memref<1x250x80xi32, #tpu.memory_space<hbm>>
      %dma_start3A_82 = tpu.memref_squeeze %dma_start3A_81 : memref<1x250x80xi32, #tpu.memory_space<hbm>> -> memref<250x80xi32, #tpu.memory_space<hbm>>
      tpu.enqueue_dma source(%dma_start3A_82 : memref<250x80xi32, #tpu.memory_space<hbm>>) target(%arg8 : memref<250x80xi32, #tpu.memory_space<vmem>>) target_semaphore(%run_scoped3A : memref<!tpu.dma_semaphore, #tpu.memory_space<semaphore_mem>>)
      %dma_wait3A_83 = arith.constant 0 : i32
      %dma_wait3A_84 = arith.constant 0 : i32
      %dma_wait3A_85 = tpu.memref_slice %arg2[%add3A, %dma_wait3A_83, %dma_wait3A_84] : memref<32x250x80xi32, #tpu.memory_space<hbm>> -> memref<1x250x80xi32, #tpu.memory_space<hbm>>
      %dma_wait3A_86 = tpu.memref_squeeze %dma_wait3A_85 : memref<1x250x80xi32, #tpu.memory_space<hbm>> -> memref<250x80xi32, #tpu.memory_space<hbm>>
      %dma_wait3A_87 = arith.constant 0 : i32
      %dma_wait3A_88 = arith.constant 0 : i32
      %dma_wait3A_89 = tpu.memref_slice %arg2[%add3A, %dma_wait3A_87, %dma_wait3A_88] : memref<32x250x80xi32, #tpu.memory_space<hbm>> -> memref<1x250x80xi32, #tpu.memory_space<hbm>>
      %dma_wait3A_90 = tpu.memref_squeeze %dma_wait3A_89 : memref<1x250x80xi32, #tpu.memory_space<hbm>> -> memref<250x80xi32, #tpu.memory_space<hbm>>
      tpu.wait_dma2 semaphore(%run_scoped3A : memref<!tpu.dma_semaphore, #tpu.memory_space<semaphore_mem>>) src(%dma_wait3A_90 : memref<250x80xi32, #tpu.memory_space<hbm>>) dst(%arg8 : memref<250x80xi32, #tpu.memory_space<vmem>>)
      tpu.yield
    }) : () -> ()
    "tpu.region"() ({
      %run_scoped3A = tpu.sem_alloc : memref<!tpu.dma_semaphore, #tpu.memory_space<semaphore_mem>>
      %dma_start3A_75 = arith.constant 0 : i32
      %dma_start3A_76 = arith.constant 0 : i32
      %dma_start3A_77 = tpu.memref_slice %arg3[%add3A, %dma_start3A_75, %dma_start3A_76] : memref<32x250x80xi32, #tpu.memory_space<hbm>> -> memref<1x250x80xi32, #tpu.memory_space<hbm>>
      %dma_start3A_78 = tpu.memref_squeeze %dma_start3A_77 : memref<1x250x80xi32, #tpu.memory_space<hbm>> -> memref<250x80xi32, #tpu.memory_space<hbm>>
      %dma_start3A_79 = arith.constant 0 : i32
      %dma_start3A_80 = arith.constant 0 : i32
      %dma_start3A_81 = tpu.memref_slice %arg3[%add3A, %dma_start3A_79, %dma_start3A_80] : memref<32x250x80xi32, #tpu.memory_space<hbm>> -> memref<1x250x80xi32, #tpu.memory_space<hbm>>
      %dma_start3A_82 = tpu.memref_squeeze %dma_start3A_81 : memref<1x250x80xi32, #tpu.memory_space<hbm>> -> memref<250x80xi32, #tpu.memory_space<hbm>>
      tpu.enqueue_dma source(%dma_start3A_82 : memref<250x80xi32, #tpu.memory_space<hbm>>) target(%arg9 : memref<250x80xi32, #tpu.memory_space<vmem>>) target_semaphore(%run_scoped3A : memref<!tpu.dma_semaphore, #tpu.memory_space<semaphore_mem>>)
      %dma_wait3A_83 = arith.constant 0 : i32
      %dma_wait3A_84 = arith.constant 0 : i32
      %dma_wait3A_85 = tpu.memref_slice %arg3[%add3A, %dma_wait3A_83, %dma_wait3A_84] : memref<32x250x80xi32, #tpu.memory_space<hbm>> -> memref<1x250x80xi32, #tpu.memory_space<hbm>>
      %dma_wait3A_86 = tpu.memref_squeeze %dma_wait3A_85 : memref<1x250x80xi32, #tpu.memory_space<hbm>> -> memref<250x80xi32, #tpu.memory_space<hbm>>
      %dma_wait3A_87 = arith.constant 0 : i32
      %dma_wait3A_88 = arith.constant 0 : i32
      %dma_wait3A_89 = tpu.memref_slice %arg3[%add3A, %dma_wait3A_87, %dma_wait3A_88] : memref<32x250x80xi32, #tpu.memory_space<hbm>> -> memref<1x250x80xi32, #tpu.memory_space<hbm>>
      %dma_wait3A_90 = tpu.memref_squeeze %dma_wait3A_89 : memref<1x250x80xi32, #tpu.memory_space<hbm>> -> memref<250x80xi32, #tpu.memory_space<hbm>>
      tpu.wait_dma2 semaphore(%run_scoped3A : memref<!tpu.dma_semaphore, #tpu.memory_space<semaphore_mem>>) src(%dma_wait3A_90 : memref<250x80xi32, #tpu.memory_space<hbm>>) dst(%arg9 : memref<250x80xi32, #tpu.memory_space<vmem>>)
      tpu.yield
    }) : () -> ()
    "tpu.region"() ({
      %run_scoped3A = tpu.sem_alloc : memref<!tpu.dma_semaphore, #tpu.memory_space<semaphore_mem>>
      tpu.enqueue_dma source(%arg5 : memref<80x128xf32, #tpu.memory_space<hbm>>) target(%arg10 : memref<80x128xf32, #tpu.memory_space<vmem>>) target_semaphore(%run_scoped3A : memref<!tpu.dma_semaphore, #tpu.memory_space<semaphore_mem>>)
      tpu.wait_dma2 semaphore(%run_scoped3A : memref<!tpu.dma_semaphore, #tpu.memory_space<semaphore_mem>>) src(%arg5 : memref<80x128xf32, #tpu.memory_space<hbm>>) dst(%arg10 : memref<80x128xf32, #tpu.memory_space<vmem>>)
      tpu.yield
    }) : () -> ()
    %mul3A_1 = arith.constant 328 : i32
    %mul3A_2 = arith.muli %arg1, %mul3A_1 : i32
    %mul3A_3 = arith.constant 320 : i32
    %mul3A_4 = arith.muli %arg1, %mul3A_3 : i32
    "tpu.region"() ({
      %run_scoped3A = tpu.sem_alloc : memref<!tpu.dma_semaphore, #tpu.memory_space<semaphore_mem>>
      %dma_start3A_75 = arith.constant 0 : i32
      %dma_start3A_76 = tpu.memref_slice %arg11[%mul3A_2, %dma_start3A_75] : memref<5248x128xf32, #tpu.memory_space<vmem_shared>> -> memref<328x128xf32, #tpu.memory_space<vmem_shared>>
      %dma_start3A_77 = arith.constant 0 : i32
      %dma_start3A_78 = tpu.memref_slice %arg4[%mul3A_2, %dma_start3A_77] : memref<5248x128xf32, #tpu.memory_space<hbm>> -> memref<328x128xf32, #tpu.memory_space<hbm>>
      tpu.enqueue_dma source(%dma_start3A_78 : memref<328x128xf32, #tpu.memory_space<hbm>>) target(%dma_start3A_76 : memref<328x128xf32, #tpu.memory_space<vmem_shared>>) target_semaphore(%run_scoped3A : memref<!tpu.dma_semaphore, #tpu.memory_space<semaphore_mem>>)
      %dma_wait3A_79 = arith.constant 0 : i32
      %dma_wait3A_80 = tpu.memref_slice %arg11[%mul3A_2, %dma_wait3A_79] : memref<5248x128xf32, #tpu.memory_space<vmem_shared>> -> memref<328x128xf32, #tpu.memory_space<vmem_shared>>
      %dma_wait3A_81 = arith.constant 0 : i32
      %dma_wait3A_82 = tpu.memref_slice %arg4[%mul3A_2, %dma_wait3A_81] : memref<5248x128xf32, #tpu.memory_space<hbm>> -> memref<328x128xf32, #tpu.memory_space<hbm>>
      tpu.wait_dma2 semaphore(%run_scoped3A : memref<!tpu.dma_semaphore, #tpu.memory_space<semaphore_mem>>) src(%dma_wait3A_82 : memref<328x128xf32, #tpu.memory_space<hbm>>) dst(%dma_wait3A_80 : memref<328x128xf32, #tpu.memory_space<vmem_shared>>)
      tpu.yield
    }) : () -> ()
    %barrier3A = arith.constant 0 : index
    tpu.barrier barrier_id(%barrier3A)
    %dma_start3A = arith.constant 0 : i32
    %dma_start3A_5 = arith.constant 0 : i32
    %dma_start3A_6 = tpu.memref_slice %arg8[%dma_start3A, %dma_start3A_5] : memref<250x80xi32, #tpu.memory_space<vmem>> -> memref<1x80xi32, #tpu.memory_space<vmem>>
    %dma_start3A_7 = tpu.memref_squeeze %dma_start3A_6 : memref<1x80xi32, #tpu.memory_space<vmem>> -> memref<80xi32, #tpu.memory_space<vmem>>
    %dma_start3A_8 = arith.constant 0 : i32
    %dma_start3A_9 = arith.constant 0 : i32
    %dma_start3A_10 = tpu.memref_slice %arg11[%dma_start3A_8, %dma_start3A_9] : memref<5248x128xf32, #tpu.memory_space<vmem_shared>> -> memref<5248x128xf32, #tpu.memory_space<vmem_shared>>
    tpu.enqueue_indirect_dma source(%arg10 : memref<80x128xf32, #tpu.memory_space<vmem>>) target(%dma_start3A_10 : memref<5248x128xf32, #tpu.memory_space<vmem_shared>>) offsets(%dma_start3A_7 : memref<80xi32, #tpu.memory_space<vmem>>) semaphore(%arg12 : memref<!tpu.dma_semaphore, #tpu.memory_space<semaphore_mem>>) {add = true}
    %dma_start3A_11 = arith.constant 1 : i32
    %dma_start3A_12 = arith.constant 0 : i32
    %dma_start3A_13 = tpu.memref_slice %arg8[%dma_start3A_11, %dma_start3A_12] : memref<250x80xi32, #tpu.memory_space<vmem>> -> memref<1x80xi32, #tpu.memory_space<vmem>>
    %dma_start3A_14 = tpu.memref_squeeze %dma_start3A_13 : memref<1x80xi32, #tpu.memory_space<vmem>> -> memref<80xi32, #tpu.memory_space<vmem>>
    %dma_start3A_15 = arith.constant 0 : i32
    %dma_start3A_16 = arith.constant 0 : i32
    %dma_start3A_17 = tpu.memref_slice %arg11[%dma_start3A_15, %dma_start3A_16] : memref<5248x128xf32, #tpu.memory_space<vmem_shared>> -> memref<5248x128xf32, #tpu.memory_space<vmem_shared>>
    tpu.enqueue_indirect_dma source(%arg10 : memref<80x128xf32, #tpu.memory_space<vmem>>) target(%dma_start3A_17 : memref<5248x128xf32, #tpu.memory_space<vmem_shared>>) offsets(%dma_start3A_14 : memref<80xi32, #tpu.memory_space<vmem>>) semaphore(%arg12 : memref<!tpu.dma_semaphore, #tpu.memory_space<semaphore_mem>>) {add = true}
    %scan3A = arith.constant 0 : i32
    %scan3A_18 = arith.constant 0 : i32
    %scan3A_19 = arith.constant 248 : i32
    %scan3A_20 = arith.addi %scan3A_18, %scan3A_19 : i32
    %scan3A_21 = arith.constant 1 : i32
    scf.for %scan3A_75 = %scan3A_18 to %scan3A_20 step %scan3A_21  : i32 {
      %add3A_76 = arith.constant 2 : i32
      %add3A_77 = arith.addi %scan3A_75, %add3A_76 : i32
      %dma_start3A_78 = arith.constant 0 : i32
      %dma_start3A_79 = tpu.memref_slice %arg8[%add3A_77, %dma_start3A_78] : memref<250x80xi32, #tpu.memory_space<vmem>> -> memref<1x80xi32, #tpu.memory_space<vmem>>
      %dma_start3A_80 = tpu.memref_squeeze %dma_start3A_79 : memref<1x80xi32, #tpu.memory_space<vmem>> -> memref<80xi32, #tpu.memory_space<vmem>>
      %dma_start3A_81 = arith.constant 0 : i32
      %dma_start3A_82 = arith.constant 0 : i32
      %dma_start3A_83 = tpu.memref_slice %arg11[%dma_start3A_81, %dma_start3A_82] : memref<5248x128xf32, #tpu.memory_space<vmem_shared>> -> memref<5248x128xf32, #tpu.memory_space<vmem_shared>>
      tpu.enqueue_indirect_dma source(%arg10 : memref<80x128xf32, #tpu.memory_space<vmem>>) target(%dma_start3A_83 : memref<5248x128xf32, #tpu.memory_space<vmem_shared>>) offsets(%dma_start3A_80 : memref<80xi32, #tpu.memory_space<vmem>>) semaphore(%arg12 : memref<!tpu.dma_semaphore, #tpu.memory_space<semaphore_mem>>) {add = true}
      %dma_wait3A_84 = arith.constant 0 : i32
      %dma_wait3A_85 = tpu.memref_slice %arg8[%scan3A_75, %dma_wait3A_84] : memref<250x80xi32, #tpu.memory_space<vmem>> -> memref<1x80xi32, #tpu.memory_space<vmem>>
      %dma_wait3A_86 = tpu.memref_squeeze %dma_wait3A_85 : memref<1x80xi32, #tpu.memory_space<vmem>> -> memref<80xi32, #tpu.memory_space<vmem>>
      %dma_wait3A_87 = arith.constant 0 : i32
      %dma_wait3A_88 = arith.constant 0 : i32
      %dma_wait3A_89 = tpu.memref_slice %arg11[%dma_wait3A_87, %dma_wait3A_88] : memref<5248x128xf32, #tpu.memory_space<vmem_shared>> -> memref<5248x128xf32, #tpu.memory_space<vmem_shared>>
      tpu.wait_indirect_dma semaphore(%arg12 : memref<!tpu.dma_semaphore, #tpu.memory_space<semaphore_mem>>) src(%arg10 : memref<80x128xf32, #tpu.memory_space<vmem>>) dst(%dma_wait3A_89 : memref<5248x128xf32, #tpu.memory_space<vmem_shared>>)
    }
    %scan3A_22 = arith.constant 248 : i32
    %dma_wait3A = arith.constant 0 : i32
    %dma_wait3A_23 = arith.constant 0 : i32
    %dma_wait3A_24 = tpu.memref_slice %arg8[%dma_wait3A, %dma_wait3A_23] : memref<250x80xi32, #tpu.memory_space<vmem>> -> memref<1x80xi32, #tpu.memory_space<vmem>>
    %dma_wait3A_25 = tpu.memref_squeeze %dma_wait3A_24 : memref<1x80xi32, #tpu.memory_space<vmem>> -> memref<80xi32, #tpu.memory_space<vmem>>
    %dma_wait3A_26 = arith.constant 0 : i32
    %dma_wait3A_27 = arith.constant 0 : i32
    %dma_wait3A_28 = tpu.memref_slice %arg11[%dma_wait3A_26, %dma_wait3A_27] : memref<5248x128xf32, #tpu.memory_space<vmem_shared>> -> memref<5248x128xf32, #tpu.memory_space<vmem_shared>>
    tpu.wait_indirect_dma semaphore(%arg12 : memref<!tpu.dma_semaphore, #tpu.memory_space<semaphore_mem>>) src(%arg10 : memref<80x128xf32, #tpu.memory_space<vmem>>) dst(%dma_wait3A_28 : memref<5248x128xf32, #tpu.memory_space<vmem_shared>>)
    %dma_wait3A_29 = arith.constant 1 : i32
    %dma_wait3A_30 = arith.constant 0 : i32
    %dma_wait3A_31 = tpu.memref_slice %arg8[%dma_wait3A_29, %dma_wait3A_30] : memref<250x80xi32, #tpu.memory_space<vmem>> -> memref<1x80xi32, #tpu.memory_space<vmem>>
    %dma_wait3A_32 = tpu.memref_squeeze %dma_wait3A_31 : memref<1x80xi32, #tpu.memory_space<vmem>> -> memref<80xi32, #tpu.memory_space<vmem>>
    %dma_wait3A_33 = arith.constant 0 : i32
    %dma_wait3A_34 = arith.constant 0 : i32
    %dma_wait3A_35 = tpu.memref_slice %arg11[%dma_wait3A_33, %dma_wait3A_34] : memref<5248x128xf32, #tpu.memory_space<vmem_shared>> -> memref<5248x128xf32, #tpu.memory_space<vmem_shared>>
    tpu.wait_indirect_dma semaphore(%arg12 : memref<!tpu.dma_semaphore, #tpu.memory_space<semaphore_mem>>) src(%arg10 : memref<80x128xf32, #tpu.memory_space<vmem>>) dst(%dma_wait3A_35 : memref<5248x128xf32, #tpu.memory_space<vmem_shared>>)
    %barrier3A_36 = arith.constant 0 : index
    tpu.barrier barrier_id(%barrier3A_36)
    "tpu.region"() ({
      %run_scoped3A = tpu.sem_alloc : memref<!tpu.dma_semaphore, #tpu.memory_space<semaphore_mem>>
      %dma_start3A_75 = arith.constant 0 : i32
      %dma_start3A_76 = tpu.memref_slice %arg6[%arg0, %mul3A_4, %dma_start3A_75] : memref<2x5120x128xf32, #tpu.memory_space<hbm>> -> memref<1x320x128xf32, #tpu.memory_space<hbm>>
      %dma_start3A_77 = tpu.memref_squeeze %dma_start3A_76 : memref<1x320x128xf32, #tpu.memory_space<hbm>> -> memref<320x128xf32, #tpu.memory_space<hbm>>
      %dma_start3A_78 = arith.constant 0 : i32
      %dma_start3A_79 = tpu.memref_slice %arg11[%mul3A_4, %dma_start3A_78] : memref<5248x128xf32, #tpu.memory_space<vmem_shared>> -> memref<320x128xf32, #tpu.memory_space<vmem_shared>>
      tpu.enqueue_dma source(%dma_start3A_79 : memref<320x128xf32, #tpu.memory_space<vmem_shared>>) target(%dma_start3A_77 : memref<320x128xf32, #tpu.memory_space<hbm>>) target_semaphore(%run_scoped3A : memref<!tpu.dma_semaphore, #tpu.memory_space<semaphore_mem>>)
      %dma_wait3A_80 = arith.constant 0 : i32
      %dma_wait3A_81 = tpu.memref_slice %arg6[%arg0, %mul3A_4, %dma_wait3A_80] : memref<2x5120x128xf32, #tpu.memory_space<hbm>> -> memref<1x320x128xf32, #tpu.memory_space<hbm>>
      %dma_wait3A_82 = tpu.memref_squeeze %dma_wait3A_81 : memref<1x320x128xf32, #tpu.memory_space<hbm>> -> memref<320x128xf32, #tpu.memory_space<hbm>>
      %dma_wait3A_83 = arith.constant 0 : i32
      %dma_wait3A_84 = tpu.memref_slice %arg11[%mul3A_4, %dma_wait3A_83] : memref<5248x128xf32, #tpu.memory_space<vmem_shared>> -> memref<320x128xf32, #tpu.memory_space<vmem_shared>>
      tpu.wait_dma2 semaphore(%run_scoped3A : memref<!tpu.dma_semaphore, #tpu.memory_space<semaphore_mem>>) src(%dma_wait3A_84 : memref<320x128xf32, #tpu.memory_space<vmem_shared>>) dst(%dma_wait3A_82 : memref<320x128xf32, #tpu.memory_space<hbm>>)
      tpu.yield
    }) : () -> ()
    %barrier3A_37 = arith.constant 0 : index
    tpu.barrier barrier_id(%barrier3A_37)
    "tpu.region"() ({
      %run_scoped3A = tpu.sem_alloc : memref<!tpu.dma_semaphore, #tpu.memory_space<semaphore_mem>>
      %dma_start3A_75 = arith.constant 0 : i32
      %dma_start3A_76 = tpu.memref_slice %arg11[%mul3A_2, %dma_start3A_75] : memref<5248x128xf32, #tpu.memory_space<vmem_shared>> -> memref<328x128xf32, #tpu.memory_space<vmem_shared>>
      %dma_start3A_77 = arith.constant 0 : i32
      %dma_start3A_78 = tpu.memref_slice %arg4[%mul3A_2, %dma_start3A_77] : memref<5248x128xf32, #tpu.memory_space<hbm>> -> memref<328x128xf32, #tpu.memory_space<hbm>>
      tpu.enqueue_dma source(%dma_start3A_78 : memref<328x128xf32, #tpu.memory_space<hbm>>) target(%dma_start3A_76 : memref<328x128xf32, #tpu.memory_space<vmem_shared>>) target_semaphore(%run_scoped3A : memref<!tpu.dma_semaphore, #tpu.memory_space<semaphore_mem>>)
      %dma_wait3A_79 = arith.constant 0 : i32
      %dma_wait3A_80 = tpu.memref_slice %arg11[%mul3A_2, %dma_wait3A_79] : memref<5248x128xf32, #tpu.memory_space<vmem_shared>> -> memref<328x128xf32, #tpu.memory_space<vmem_shared>>
      %dma_wait3A_81 = arith.constant 0 : i32
      %dma_wait3A_82 = tpu.memref_slice %arg4[%mul3A_2, %dma_wait3A_81] : memref<5248x128xf32, #tpu.memory_space<hbm>> -> memref<328x128xf32, #tpu.memory_space<hbm>>
      tpu.wait_dma2 semaphore(%run_scoped3A : memref<!tpu.dma_semaphore, #tpu.memory_space<semaphore_mem>>) src(%dma_wait3A_82 : memref<328x128xf32, #tpu.memory_space<hbm>>) dst(%dma_wait3A_80 : memref<328x128xf32, #tpu.memory_space<vmem_shared>>)
      tpu.yield
    }) : () -> ()
    %barrier3A_38 = arith.constant 0 : index
    tpu.barrier barrier_id(%barrier3A_38)
    %dma_start3A_39 = arith.constant 0 : i32
    %dma_start3A_40 = arith.constant 0 : i32
    %dma_start3A_41 = tpu.memref_slice %arg9[%dma_start3A_39, %dma_start3A_40] : memref<250x80xi32, #tpu.memory_space<vmem>> -> memref<1x80xi32, #tpu.memory_space<vmem>>
    %dma_start3A_42 = tpu.memref_squeeze %dma_start3A_41 : memref<1x80xi32, #tpu.memory_space<vmem>> -> memref<80xi32, #tpu.memory_space<vmem>>
    %dma_start3A_43 = arith.constant 0 : i32
    %dma_start3A_44 = arith.constant 0 : i32
    %dma_start3A_45 = tpu.memref_slice %arg11[%dma_start3A_43, %dma_start3A_44] : memref<5248x128xf32, #tpu.memory_space<vmem_shared>> -> memref<5248x128xf32, #tpu.memory_space<vmem_shared>>
    tpu.enqueue_indirect_dma source(%arg10 : memref<80x128xf32, #tpu.memory_space<vmem>>) target(%dma_start3A_45 : memref<5248x128xf32, #tpu.memory_space<vmem_shared>>) offsets(%dma_start3A_42 : memref<80xi32, #tpu.memory_space<vmem>>) semaphore(%arg12 : memref<!tpu.dma_semaphore, #tpu.memory_space<semaphore_mem>>) {add = true}
    %dma_start3A_46 = arith.constant 1 : i32
    %dma_start3A_47 = arith.constant 0 : i32
    %dma_start3A_48 = tpu.memref_slice %arg9[%dma_start3A_46, %dma_start3A_47] : memref<250x80xi32, #tpu.memory_space<vmem>> -> memref<1x80xi32, #tpu.memory_space<vmem>>
    %dma_start3A_49 = tpu.memref_squeeze %dma_start3A_48 : memref<1x80xi32, #tpu.memory_space<vmem>> -> memref<80xi32, #tpu.memory_space<vmem>>
    %dma_start3A_50 = arith.constant 0 : i32
    %dma_start3A_51 = arith.constant 0 : i32
    %dma_start3A_52 = tpu.memref_slice %arg11[%dma_start3A_50, %dma_start3A_51] : memref<5248x128xf32, #tpu.memory_space<vmem_shared>> -> memref<5248x128xf32, #tpu.memory_space<vmem_shared>>
    tpu.enqueue_indirect_dma source(%arg10 : memref<80x128xf32, #tpu.memory_space<vmem>>) target(%dma_start3A_52 : memref<5248x128xf32, #tpu.memory_space<vmem_shared>>) offsets(%dma_start3A_49 : memref<80xi32, #tpu.memory_space<vmem>>) semaphore(%arg12 : memref<!tpu.dma_semaphore, #tpu.memory_space<semaphore_mem>>) {add = true}
    %scan3A_53 = arith.constant 0 : i32
    %scan3A_54 = arith.constant 0 : i32
    %scan3A_55 = arith.constant 248 : i32
    %scan3A_56 = arith.addi %scan3A_54, %scan3A_55 : i32
    %scan3A_57 = arith.constant 1 : i32
    scf.for %scan3A_75 = %scan3A_54 to %scan3A_56 step %scan3A_57  : i32 {
      %add3A_76 = arith.constant 2 : i32
      %add3A_77 = arith.addi %scan3A_75, %add3A_76 : i32
      %dma_start3A_78 = arith.constant 0 : i32
      %dma_start3A_79 = tpu.memref_slice %arg9[%add3A_77, %dma_start3A_78] : memref<250x80xi32, #tpu.memory_space<vmem>> -> memref<1x80xi32, #tpu.memory_space<vmem>>
      %dma_start3A_80 = tpu.memref_squeeze %dma_start3A_79 : memref<1x80xi32, #tpu.memory_space<vmem>> -> memref<80xi32, #tpu.memory_space<vmem>>
      %dma_start3A_81 = arith.constant 0 : i32
      %dma_start3A_82 = arith.constant 0 : i32
      %dma_start3A_83 = tpu.memref_slice %arg11[%dma_start3A_81, %dma_start3A_82] : memref<5248x128xf32, #tpu.memory_space<vmem_shared>> -> memref<5248x128xf32, #tpu.memory_space<vmem_shared>>
      tpu.enqueue_indirect_dma source(%arg10 : memref<80x128xf32, #tpu.memory_space<vmem>>) target(%dma_start3A_83 : memref<5248x128xf32, #tpu.memory_space<vmem_shared>>) offsets(%dma_start3A_80 : memref<80xi32, #tpu.memory_space<vmem>>) semaphore(%arg12 : memref<!tpu.dma_semaphore, #tpu.memory_space<semaphore_mem>>) {add = true}
      %dma_wait3A_84 = arith.constant 0 : i32
      %dma_wait3A_85 = tpu.memref_slice %arg9[%scan3A_75, %dma_wait3A_84] : memref<250x80xi32, #tpu.memory_space<vmem>> -> memref<1x80xi32, #tpu.memory_space<vmem>>
      %dma_wait3A_86 = tpu.memref_squeeze %dma_wait3A_85 : memref<1x80xi32, #tpu.memory_space<vmem>> -> memref<80xi32, #tpu.memory_space<vmem>>
      %dma_wait3A_87 = arith.constant 0 : i32
      %dma_wait3A_88 = arith.constant 0 : i32
      %dma_wait3A_89 = tpu.memref_slice %arg11[%dma_wait3A_87, %dma_wait3A_88] : memref<5248x128xf32, #tpu.memory_space<vmem_shared>> -> memref<5248x128xf32, #tpu.memory_space<vmem_shared>>
      tpu.wait_indirect_dma semaphore(%arg12 : memref<!tpu.dma_semaphore, #tpu.memory_space<semaphore_mem>>) src(%arg10 : memref<80x128xf32, #tpu.memory_space<vmem>>) dst(%dma_wait3A_89 : memref<5248x128xf32, #tpu.memory_space<vmem_shared>>)
    }
    %scan3A_58 = arith.constant 248 : i32
    %dma_wait3A_59 = arith.constant 0 : i32
    %dma_wait3A_60 = arith.constant 0 : i32
    %dma_wait3A_61 = tpu.memref_slice %arg9[%dma_wait3A_59, %dma_wait3A_60] : memref<250x80xi32, #tpu.memory_space<vmem>> -> memref<1x80xi32, #tpu.memory_space<vmem>>
    %dma_wait3A_62 = tpu.memref_squeeze %dma_wait3A_61 : memref<1x80xi32, #tpu.memory_space<vmem>> -> memref<80xi32, #tpu.memory_space<vmem>>
    %dma_wait3A_63 = arith.constant 0 : i32
    %dma_wait3A_64 = arith.constant 0 : i32
    %dma_wait3A_65 = tpu.memref_slice %arg11[%dma_wait3A_63, %dma_wait3A_64] : memref<5248x128xf32, #tpu.memory_space<vmem_shared>> -> memref<5248x128xf32, #tpu.memory_space<vmem_shared>>
    tpu.wait_indirect_dma semaphore(%arg12 : memref<!tpu.dma_semaphore, #tpu.memory_space<semaphore_mem>>) src(%arg10 : memref<80x128xf32, #tpu.memory_space<vmem>>) dst(%dma_wait3A_65 : memref<5248x128xf32, #tpu.memory_space<vmem_shared>>)
    %dma_wait3A_66 = arith.constant 1 : i32
    %dma_wait3A_67 = arith.constant 0 : i32
    %dma_wait3A_68 = tpu.memref_slice %arg9[%dma_wait3A_66, %dma_wait3A_67] : memref<250x80xi32, #tpu.memory_space<vmem>> -> memref<1x80xi32, #tpu.memory_space<vmem>>
    %dma_wait3A_69 = tpu.memref_squeeze %dma_wait3A_68 : memref<1x80xi32, #tpu.memory_space<vmem>> -> memref<80xi32, #tpu.memory_space<vmem>>
    %dma_wait3A_70 = arith.constant 0 : i32
    %dma_wait3A_71 = arith.constant 0 : i32
    %dma_wait3A_72 = tpu.memref_slice %arg11[%dma_wait3A_70, %dma_wait3A_71] : memref<5248x128xf32, #tpu.memory_space<vmem_shared>> -> memref<5248x128xf32, #tpu.memory_space<vmem_shared>>
    tpu.wait_indirect_dma semaphore(%arg12 : memref<!tpu.dma_semaphore, #tpu.memory_space<semaphore_mem>>) src(%arg10 : memref<80x128xf32, #tpu.memory_space<vmem>>) dst(%dma_wait3A_72 : memref<5248x128xf32, #tpu.memory_space<vmem_shared>>)
    %barrier3A_73 = arith.constant 0 : index
    tpu.barrier barrier_id(%barrier3A_73)
    "tpu.region"() ({
      %run_scoped3A = tpu.sem_alloc : memref<!tpu.dma_semaphore, #tpu.memory_space<semaphore_mem>>
      %dma_start3A_75 = arith.constant 0 : i32
      %dma_start3A_76 = tpu.memref_slice %arg7[%arg0, %mul3A_4, %dma_start3A_75] : memref<2x5120x128xf32, #tpu.memory_space<hbm>> -> memref<1x320x128xf32, #tpu.memory_space<hbm>>
      %dma_start3A_77 = tpu.memref_squeeze %dma_start3A_76 : memref<1x320x128xf32, #tpu.memory_space<hbm>> -> memref<320x128xf32, #tpu.memory_space<hbm>>
      %dma_start3A_78 = arith.constant 0 : i32
      %dma_start3A_79 = tpu.memref_slice %arg11[%mul3A_4, %dma_start3A_78] : memref<5248x128xf32, #tpu.memory_space<vmem_shared>> -> memref<320x128xf32, #tpu.memory_space<vmem_shared>>
      tpu.enqueue_dma source(%dma_start3A_79 : memref<320x128xf32, #tpu.memory_space<vmem_shared>>) target(%dma_start3A_77 : memref<320x128xf32, #tpu.memory_space<hbm>>) target_semaphore(%run_scoped3A : memref<!tpu.dma_semaphore, #tpu.memory_space<semaphore_mem>>)
      %dma_wait3A_80 = arith.constant 0 : i32
      %dma_wait3A_81 = tpu.memref_slice %arg7[%arg0, %mul3A_4, %dma_wait3A_80] : memref<2x5120x128xf32, #tpu.memory_space<hbm>> -> memref<1x320x128xf32, #tpu.memory_space<hbm>>
      %dma_wait3A_82 = tpu.memref_squeeze %dma_wait3A_81 : memref<1x320x128xf32, #tpu.memory_space<hbm>> -> memref<320x128xf32, #tpu.memory_space<hbm>>
      %dma_wait3A_83 = arith.constant 0 : i32
      %dma_wait3A_84 = tpu.memref_slice %arg11[%mul3A_4, %dma_wait3A_83] : memref<5248x128xf32, #tpu.memory_space<vmem_shared>> -> memref<320x128xf32, #tpu.memory_space<vmem_shared>>
      tpu.wait_dma2 semaphore(%run_scoped3A : memref<!tpu.dma_semaphore, #tpu.memory_space<semaphore_mem>>) src(%dma_wait3A_84 : memref<320x128xf32, #tpu.memory_space<vmem_shared>>) dst(%dma_wait3A_82 : memref<320x128xf32, #tpu.memory_space<hbm>>)
      tpu.yield
    }) : () -> ()
    %barrier3A_74 = arith.constant 0 : index
    tpu.barrier barrier_id(%barrier3A_74)
    return
  }
}

#map = affine_map<(d0, d1) -> (0, 0)>
#map1 = affine_map<(d0, d1) -> (0, 0, 0)>
module attributes {stable_mosaic.version = 14 : i64} {
  func.func @agg_kernel(%arg0: i32, %arg1: i32, %arg2: memref<10240x128xf32, #tpu.memory_space<hbm>>, %arg3: memref<16x250x80xi32, #tpu.memory_space<hbm>>, %arg4: memref<32x250x80xi32, #tpu.memory_space<hbm>>, %arg5: memref<5248x128xf32, #tpu.memory_space<hbm>>, %arg6: memref<2x5120x128xf32, #tpu.memory_space<hbm>>, %arg7: memref<250x80xi32, #tpu.memory_space<vmem>>, %arg8: memref<250x80xi32, #tpu.memory_space<vmem>>, %arg9: memref<80x128xf32, #tpu.memory_space<vmem>>, %arg10: memref<80x128xf32, #tpu.memory_space<vmem>>, %arg11: memref<5248x128xf32, #tpu.memory_space<vmem_shared>>, %arg12: memref<!tpu.dma_semaphore, #tpu.memory_space<semaphore_mem>>, %arg13: memref<!tpu.dma_semaphore, #tpu.memory_space<semaphore_mem>>, %arg14: memref<!tpu.dma_semaphore, #tpu.memory_space<semaphore_mem>>, %arg15: memref<!tpu.dma_semaphore, #tpu.memory_space<semaphore_mem>>) attributes {dimension_semantics = [#tpu.dimension_semantics<core_parallel>, #tpu.dimension_semantics<subcore_parallel>], iteration_bounds = array<i64: 2, 16>, scalar_prefetch = 0 : i64, scratch_operands = 9 : i64, tpu.core_type = #tpu.core_type<sc_vector_subcore>, window_params = [{transform_indices = #map}, {transform_indices = #map1}, {transform_indices = #map1}, {transform_indices = #map}, {transform_indices = #map1}]} {
    %mul3A = arith.constant 16 : i32
    %mul3A_0 = arith.muli %arg0, %mul3A : i32
    %add3A = arith.addi %mul3A_0, %arg1 : i32
    "tpu.region"() ({
      %run_scoped3A = tpu.sem_alloc : memref<!tpu.dma_semaphore, #tpu.memory_space<semaphore_mem>>
      %dma_start3A_65 = arith.constant 0 : i32
      %dma_start3A_66 = arith.constant 0 : i32
      %dma_start3A_67 = tpu.memref_slice %arg3[%arg1, %dma_start3A_65, %dma_start3A_66] : memref<16x250x80xi32, #tpu.memory_space<hbm>> -> memref<1x250x80xi32, #tpu.memory_space<hbm>>
      %dma_start3A_68 = tpu.memref_squeeze %dma_start3A_67 : memref<1x250x80xi32, #tpu.memory_space<hbm>> -> memref<250x80xi32, #tpu.memory_space<hbm>>
      %dma_start3A_69 = arith.constant 0 : i32
      %dma_start3A_70 = arith.constant 0 : i32
      %dma_start3A_71 = tpu.memref_slice %arg3[%arg1, %dma_start3A_69, %dma_start3A_70] : memref<16x250x80xi32, #tpu.memory_space<hbm>> -> memref<1x250x80xi32, #tpu.memory_space<hbm>>
      %dma_start3A_72 = tpu.memref_squeeze %dma_start3A_71 : memref<1x250x80xi32, #tpu.memory_space<hbm>> -> memref<250x80xi32, #tpu.memory_space<hbm>>
      tpu.enqueue_dma source(%dma_start3A_72 : memref<250x80xi32, #tpu.memory_space<hbm>>) target(%arg7 : memref<250x80xi32, #tpu.memory_space<vmem>>) target_semaphore(%run_scoped3A : memref<!tpu.dma_semaphore, #tpu.memory_space<semaphore_mem>>)
      %dma_wait3A_73 = arith.constant 0 : i32
      %dma_wait3A_74 = arith.constant 0 : i32
      %dma_wait3A_75 = tpu.memref_slice %arg3[%arg1, %dma_wait3A_73, %dma_wait3A_74] : memref<16x250x80xi32, #tpu.memory_space<hbm>> -> memref<1x250x80xi32, #tpu.memory_space<hbm>>
      %dma_wait3A_76 = tpu.memref_squeeze %dma_wait3A_75 : memref<1x250x80xi32, #tpu.memory_space<hbm>> -> memref<250x80xi32, #tpu.memory_space<hbm>>
      %dma_wait3A_77 = arith.constant 0 : i32
      %dma_wait3A_78 = arith.constant 0 : i32
      %dma_wait3A_79 = tpu.memref_slice %arg3[%arg1, %dma_wait3A_77, %dma_wait3A_78] : memref<16x250x80xi32, #tpu.memory_space<hbm>> -> memref<1x250x80xi32, #tpu.memory_space<hbm>>
      %dma_wait3A_80 = tpu.memref_squeeze %dma_wait3A_79 : memref<1x250x80xi32, #tpu.memory_space<hbm>> -> memref<250x80xi32, #tpu.memory_space<hbm>>
      tpu.wait_dma2 semaphore(%run_scoped3A : memref<!tpu.dma_semaphore, #tpu.memory_space<semaphore_mem>>) src(%dma_wait3A_80 : memref<250x80xi32, #tpu.memory_space<hbm>>) dst(%arg7 : memref<250x80xi32, #tpu.memory_space<vmem>>)
      tpu.yield
    }) : () -> ()
    "tpu.region"() ({
      %run_scoped3A = tpu.sem_alloc : memref<!tpu.dma_semaphore, #tpu.memory_space<semaphore_mem>>
      %dma_start3A_65 = arith.constant 0 : i32
      %dma_start3A_66 = arith.constant 0 : i32
      %dma_start3A_67 = tpu.memref_slice %arg4[%add3A, %dma_start3A_65, %dma_start3A_66] : memref<32x250x80xi32, #tpu.memory_space<hbm>> -> memref<1x250x80xi32, #tpu.memory_space<hbm>>
      %dma_start3A_68 = tpu.memref_squeeze %dma_start3A_67 : memref<1x250x80xi32, #tpu.memory_space<hbm>> -> memref<250x80xi32, #tpu.memory_space<hbm>>
      %dma_start3A_69 = arith.constant 0 : i32
      %dma_start3A_70 = arith.constant 0 : i32
      %dma_start3A_71 = tpu.memref_slice %arg4[%add3A, %dma_start3A_69, %dma_start3A_70] : memref<32x250x80xi32, #tpu.memory_space<hbm>> -> memref<1x250x80xi32, #tpu.memory_space<hbm>>
      %dma_start3A_72 = tpu.memref_squeeze %dma_start3A_71 : memref<1x250x80xi32, #tpu.memory_space<hbm>> -> memref<250x80xi32, #tpu.memory_space<hbm>>
      tpu.enqueue_dma source(%dma_start3A_72 : memref<250x80xi32, #tpu.memory_space<hbm>>) target(%arg8 : memref<250x80xi32, #tpu.memory_space<vmem>>) target_semaphore(%run_scoped3A : memref<!tpu.dma_semaphore, #tpu.memory_space<semaphore_mem>>)
      %dma_wait3A_73 = arith.constant 0 : i32
      %dma_wait3A_74 = arith.constant 0 : i32
      %dma_wait3A_75 = tpu.memref_slice %arg4[%add3A, %dma_wait3A_73, %dma_wait3A_74] : memref<32x250x80xi32, #tpu.memory_space<hbm>> -> memref<1x250x80xi32, #tpu.memory_space<hbm>>
      %dma_wait3A_76 = tpu.memref_squeeze %dma_wait3A_75 : memref<1x250x80xi32, #tpu.memory_space<hbm>> -> memref<250x80xi32, #tpu.memory_space<hbm>>
      %dma_wait3A_77 = arith.constant 0 : i32
      %dma_wait3A_78 = arith.constant 0 : i32
      %dma_wait3A_79 = tpu.memref_slice %arg4[%add3A, %dma_wait3A_77, %dma_wait3A_78] : memref<32x250x80xi32, #tpu.memory_space<hbm>> -> memref<1x250x80xi32, #tpu.memory_space<hbm>>
      %dma_wait3A_80 = tpu.memref_squeeze %dma_wait3A_79 : memref<1x250x80xi32, #tpu.memory_space<hbm>> -> memref<250x80xi32, #tpu.memory_space<hbm>>
      tpu.wait_dma2 semaphore(%run_scoped3A : memref<!tpu.dma_semaphore, #tpu.memory_space<semaphore_mem>>) src(%dma_wait3A_80 : memref<250x80xi32, #tpu.memory_space<hbm>>) dst(%arg8 : memref<250x80xi32, #tpu.memory_space<vmem>>)
      tpu.yield
    }) : () -> ()
    %mul3A_1 = arith.constant 328 : i32
    %mul3A_2 = arith.muli %arg1, %mul3A_1 : i32
    "tpu.region"() ({
      %run_scoped3A = tpu.sem_alloc : memref<!tpu.dma_semaphore, #tpu.memory_space<semaphore_mem>>
      %dma_start3A_65 = arith.constant 0 : i32
      %dma_start3A_66 = tpu.memref_slice %arg11[%mul3A_2, %dma_start3A_65] : memref<5248x128xf32, #tpu.memory_space<vmem_shared>> -> memref<328x128xf32, #tpu.memory_space<vmem_shared>>
      %dma_start3A_67 = arith.constant 0 : i32
      %dma_start3A_68 = tpu.memref_slice %arg5[%mul3A_2, %dma_start3A_67] : memref<5248x128xf32, #tpu.memory_space<hbm>> -> memref<328x128xf32, #tpu.memory_space<hbm>>
      tpu.enqueue_dma source(%dma_start3A_68 : memref<328x128xf32, #tpu.memory_space<hbm>>) target(%dma_start3A_66 : memref<328x128xf32, #tpu.memory_space<vmem_shared>>) target_semaphore(%run_scoped3A : memref<!tpu.dma_semaphore, #tpu.memory_space<semaphore_mem>>)
      %dma_wait3A_69 = arith.constant 0 : i32
      %dma_wait3A_70 = tpu.memref_slice %arg11[%mul3A_2, %dma_wait3A_69] : memref<5248x128xf32, #tpu.memory_space<vmem_shared>> -> memref<328x128xf32, #tpu.memory_space<vmem_shared>>
      %dma_wait3A_71 = arith.constant 0 : i32
      %dma_wait3A_72 = tpu.memref_slice %arg5[%mul3A_2, %dma_wait3A_71] : memref<5248x128xf32, #tpu.memory_space<hbm>> -> memref<328x128xf32, #tpu.memory_space<hbm>>
      tpu.wait_dma2 semaphore(%run_scoped3A : memref<!tpu.dma_semaphore, #tpu.memory_space<semaphore_mem>>) src(%dma_wait3A_72 : memref<328x128xf32, #tpu.memory_space<hbm>>) dst(%dma_wait3A_70 : memref<328x128xf32, #tpu.memory_space<vmem_shared>>)
      tpu.yield
    }) : () -> ()
    %barrier3A = arith.constant 0 : index
    tpu.barrier barrier_id(%barrier3A)
    %dma_start3A = arith.constant 0 : i32
    %dma_start3A_3 = arith.constant 0 : i32
    %dma_start3A_4 = tpu.memref_slice %arg7[%dma_start3A, %dma_start3A_3] : memref<250x80xi32, #tpu.memory_space<vmem>> -> memref<1x80xi32, #tpu.memory_space<vmem>>
    %dma_start3A_5 = tpu.memref_squeeze %dma_start3A_4 : memref<1x80xi32, #tpu.memory_space<vmem>> -> memref<80xi32, #tpu.memory_space<vmem>>
    %dma_start3A_6 = arith.constant 0 : i32
    %dma_start3A_7 = arith.constant 0 : i32
    %dma_start3A_8 = tpu.memref_slice %arg2[%dma_start3A_6, %dma_start3A_7] : memref<10240x128xf32, #tpu.memory_space<hbm>> -> memref<10240x128xf32, #tpu.memory_space<hbm>>
    tpu.enqueue_indirect_dma source(%dma_start3A_8 : memref<10240x128xf32, #tpu.memory_space<hbm>>) target(%arg9 : memref<80x128xf32, #tpu.memory_space<vmem>>) offsets(%dma_start3A_5 : memref<80xi32, #tpu.memory_space<vmem>>) semaphore(%arg12 : memref<!tpu.dma_semaphore, #tpu.memory_space<semaphore_mem>>)
    %dma_wait3A = arith.constant 0 : i32
    %dma_wait3A_9 = arith.constant 0 : i32
    %dma_wait3A_10 = tpu.memref_slice %arg7[%dma_wait3A, %dma_wait3A_9] : memref<250x80xi32, #tpu.memory_space<vmem>> -> memref<1x80xi32, #tpu.memory_space<vmem>>
    %dma_wait3A_11 = tpu.memref_squeeze %dma_wait3A_10 : memref<1x80xi32, #tpu.memory_space<vmem>> -> memref<80xi32, #tpu.memory_space<vmem>>
    %dma_wait3A_12 = arith.constant 0 : i32
    %dma_wait3A_13 = arith.constant 0 : i32
    %dma_wait3A_14 = tpu.memref_slice %arg2[%dma_wait3A_12, %dma_wait3A_13] : memref<10240x128xf32, #tpu.memory_space<hbm>> -> memref<10240x128xf32, #tpu.memory_space<hbm>>
    tpu.wait_indirect_dma semaphore(%arg12 : memref<!tpu.dma_semaphore, #tpu.memory_space<semaphore_mem>>) src(%dma_wait3A_14 : memref<10240x128xf32, #tpu.memory_space<hbm>>) dst(%arg9 : memref<80x128xf32, #tpu.memory_space<vmem>>)
    %dma_start3A_15 = arith.constant 0 : i32
    %dma_start3A_16 = arith.constant 0 : i32
    %dma_start3A_17 = tpu.memref_slice %arg8[%dma_start3A_15, %dma_start3A_16] : memref<250x80xi32, #tpu.memory_space<vmem>> -> memref<1x80xi32, #tpu.memory_space<vmem>>
    %dma_start3A_18 = tpu.memref_squeeze %dma_start3A_17 : memref<1x80xi32, #tpu.memory_space<vmem>> -> memref<80xi32, #tpu.memory_space<vmem>>
    %dma_start3A_19 = arith.constant 0 : i32
    %dma_start3A_20 = arith.constant 0 : i32
    %dma_start3A_21 = tpu.memref_slice %arg11[%dma_start3A_19, %dma_start3A_20] : memref<5248x128xf32, #tpu.memory_space<vmem_shared>> -> memref<5248x128xf32, #tpu.memory_space<vmem_shared>>
    tpu.enqueue_indirect_dma source(%arg9 : memref<80x128xf32, #tpu.memory_space<vmem>>) target(%dma_start3A_21 : memref<5248x128xf32, #tpu.memory_space<vmem_shared>>) offsets(%dma_start3A_18 : memref<80xi32, #tpu.memory_space<vmem>>) semaphore(%arg14 : memref<!tpu.dma_semaphore, #tpu.memory_space<semaphore_mem>>) {add = true}
    %dma_start3A_22 = arith.constant 1 : i32
    %dma_start3A_23 = arith.constant 0 : i32
    %dma_start3A_24 = tpu.memref_slice %arg7[%dma_start3A_22, %dma_start3A_23] : memref<250x80xi32, #tpu.memory_space<vmem>> -> memref<1x80xi32, #tpu.memory_space<vmem>>
    %dma_start3A_25 = tpu.memref_squeeze %dma_start3A_24 : memref<1x80xi32, #tpu.memory_space<vmem>> -> memref<80xi32, #tpu.memory_space<vmem>>
    %dma_start3A_26 = arith.constant 0 : i32
    %dma_start3A_27 = arith.constant 0 : i32
    %dma_start3A_28 = tpu.memref_slice %arg2[%dma_start3A_26, %dma_start3A_27] : memref<10240x128xf32, #tpu.memory_space<hbm>> -> memref<10240x128xf32, #tpu.memory_space<hbm>>
    tpu.enqueue_indirect_dma source(%dma_start3A_28 : memref<10240x128xf32, #tpu.memory_space<hbm>>) target(%arg10 : memref<80x128xf32, #tpu.memory_space<vmem>>) offsets(%dma_start3A_25 : memref<80xi32, #tpu.memory_space<vmem>>) semaphore(%arg13 : memref<!tpu.dma_semaphore, #tpu.memory_space<semaphore_mem>>)
    %dma_wait3A_29 = arith.constant 1 : i32
    %dma_wait3A_30 = arith.constant 0 : i32
    %dma_wait3A_31 = tpu.memref_slice %arg7[%dma_wait3A_29, %dma_wait3A_30] : memref<250x80xi32, #tpu.memory_space<vmem>> -> memref<1x80xi32, #tpu.memory_space<vmem>>
    %dma_wait3A_32 = tpu.memref_squeeze %dma_wait3A_31 : memref<1x80xi32, #tpu.memory_space<vmem>> -> memref<80xi32, #tpu.memory_space<vmem>>
    %dma_wait3A_33 = arith.constant 0 : i32
    %dma_wait3A_34 = arith.constant 0 : i32
    %dma_wait3A_35 = tpu.memref_slice %arg2[%dma_wait3A_33, %dma_wait3A_34] : memref<10240x128xf32, #tpu.memory_space<hbm>> -> memref<10240x128xf32, #tpu.memory_space<hbm>>
    tpu.wait_indirect_dma semaphore(%arg13 : memref<!tpu.dma_semaphore, #tpu.memory_space<semaphore_mem>>) src(%dma_wait3A_35 : memref<10240x128xf32, #tpu.memory_space<hbm>>) dst(%arg10 : memref<80x128xf32, #tpu.memory_space<vmem>>)
    %dma_start3A_36 = arith.constant 1 : i32
    %dma_start3A_37 = arith.constant 0 : i32
    %dma_start3A_38 = tpu.memref_slice %arg8[%dma_start3A_36, %dma_start3A_37] : memref<250x80xi32, #tpu.memory_space<vmem>> -> memref<1x80xi32, #tpu.memory_space<vmem>>
    %dma_start3A_39 = tpu.memref_squeeze %dma_start3A_38 : memref<1x80xi32, #tpu.memory_space<vmem>> -> memref<80xi32, #tpu.memory_space<vmem>>
    %dma_start3A_40 = arith.constant 0 : i32
    %dma_start3A_41 = arith.constant 0 : i32
    %dma_start3A_42 = tpu.memref_slice %arg11[%dma_start3A_40, %dma_start3A_41] : memref<5248x128xf32, #tpu.memory_space<vmem_shared>> -> memref<5248x128xf32, #tpu.memory_space<vmem_shared>>
    tpu.enqueue_indirect_dma source(%arg10 : memref<80x128xf32, #tpu.memory_space<vmem>>) target(%dma_start3A_42 : memref<5248x128xf32, #tpu.memory_space<vmem_shared>>) offsets(%dma_start3A_39 : memref<80xi32, #tpu.memory_space<vmem>>) semaphore(%arg15 : memref<!tpu.dma_semaphore, #tpu.memory_space<semaphore_mem>>) {add = true}
    %scan3A = arith.constant 0 : i32
    %scan3A_43 = arith.constant 0 : i32
    %scan3A_44 = arith.constant 124 : i32
    %scan3A_45 = arith.addi %scan3A_43, %scan3A_44 : i32
    %scan3A_46 = arith.constant 1 : i32
    scf.for %scan3A_65 = %scan3A_43 to %scan3A_45 step %scan3A_46  : i32 {
      %mul3A_66 = arith.constant 2 : i32
      %mul3A_67 = arith.muli %mul3A_66, %scan3A_65 : i32
      %add3A_68 = arith.constant 0 : i32
      %add3A_69 = arith.addi %mul3A_67, %add3A_68 : i32
      %dma_wait3A_70 = arith.constant 0 : i32
      %dma_wait3A_71 = tpu.memref_slice %arg8[%add3A_69, %dma_wait3A_70] : memref<250x80xi32, #tpu.memory_space<vmem>> -> memref<1x80xi32, #tpu.memory_space<vmem>>
      %dma_wait3A_72 = tpu.memref_squeeze %dma_wait3A_71 : memref<1x80xi32, #tpu.memory_space<vmem>> -> memref<80xi32, #tpu.memory_space<vmem>>
      %dma_wait3A_73 = arith.constant 0 : i32
      %dma_wait3A_74 = arith.constant 0 : i32
      %dma_wait3A_75 = tpu.memref_slice %arg11[%dma_wait3A_73, %dma_wait3A_74] : memref<5248x128xf32, #tpu.memory_space<vmem_shared>> -> memref<5248x128xf32, #tpu.memory_space<vmem_shared>>
      tpu.wait_indirect_dma semaphore(%arg14 : memref<!tpu.dma_semaphore, #tpu.memory_space<semaphore_mem>>) src(%arg9 : memref<80x128xf32, #tpu.memory_space<vmem>>) dst(%dma_wait3A_75 : memref<5248x128xf32, #tpu.memory_space<vmem_shared>>)
      %add3A_76 = arith.constant 2 : i32
      %add3A_77 = arith.addi %add3A_69, %add3A_76 : i32
      %dma_start3A_78 = arith.constant 0 : i32
      %dma_start3A_79 = tpu.memref_slice %arg7[%add3A_77, %dma_start3A_78] : memref<250x80xi32, #tpu.memory_space<vmem>> -> memref<1x80xi32, #tpu.memory_space<vmem>>
      %dma_start3A_80 = tpu.memref_squeeze %dma_start3A_79 : memref<1x80xi32, #tpu.memory_space<vmem>> -> memref<80xi32, #tpu.memory_space<vmem>>
      %dma_start3A_81 = arith.constant 0 : i32
      %dma_start3A_82 = arith.constant 0 : i32
      %dma_start3A_83 = tpu.memref_slice %arg2[%dma_start3A_81, %dma_start3A_82] : memref<10240x128xf32, #tpu.memory_space<hbm>> -> memref<10240x128xf32, #tpu.memory_space<hbm>>
      tpu.enqueue_indirect_dma source(%dma_start3A_83 : memref<10240x128xf32, #tpu.memory_space<hbm>>) target(%arg9 : memref<80x128xf32, #tpu.memory_space<vmem>>) offsets(%dma_start3A_80 : memref<80xi32, #tpu.memory_space<vmem>>) semaphore(%arg12 : memref<!tpu.dma_semaphore, #tpu.memory_space<semaphore_mem>>)
      %dma_wait3A_84 = arith.constant 0 : i32
      %dma_wait3A_85 = tpu.memref_slice %arg7[%add3A_77, %dma_wait3A_84] : memref<250x80xi32, #tpu.memory_space<vmem>> -> memref<1x80xi32, #tpu.memory_space<vmem>>
      %dma_wait3A_86 = tpu.memref_squeeze %dma_wait3A_85 : memref<1x80xi32, #tpu.memory_space<vmem>> -> memref<80xi32, #tpu.memory_space<vmem>>
      %dma_wait3A_87 = arith.constant 0 : i32
      %dma_wait3A_88 = arith.constant 0 : i32
      %dma_wait3A_89 = tpu.memref_slice %arg2[%dma_wait3A_87, %dma_wait3A_88] : memref<10240x128xf32, #tpu.memory_space<hbm>> -> memref<10240x128xf32, #tpu.memory_space<hbm>>
      tpu.wait_indirect_dma semaphore(%arg12 : memref<!tpu.dma_semaphore, #tpu.memory_space<semaphore_mem>>) src(%dma_wait3A_89 : memref<10240x128xf32, #tpu.memory_space<hbm>>) dst(%arg9 : memref<80x128xf32, #tpu.memory_space<vmem>>)
      %add3A_90 = arith.constant 2 : i32
      %add3A_91 = arith.addi %add3A_69, %add3A_90 : i32
      %dma_start3A_92 = arith.constant 0 : i32
      %dma_start3A_93 = tpu.memref_slice %arg8[%add3A_91, %dma_start3A_92] : memref<250x80xi32, #tpu.memory_space<vmem>> -> memref<1x80xi32, #tpu.memory_space<vmem>>
      %dma_start3A_94 = tpu.memref_squeeze %dma_start3A_93 : memref<1x80xi32, #tpu.memory_space<vmem>> -> memref<80xi32, #tpu.memory_space<vmem>>
      %dma_start3A_95 = arith.constant 0 : i32
      %dma_start3A_96 = arith.constant 0 : i32
      %dma_start3A_97 = tpu.memref_slice %arg11[%dma_start3A_95, %dma_start3A_96] : memref<5248x128xf32, #tpu.memory_space<vmem_shared>> -> memref<5248x128xf32, #tpu.memory_space<vmem_shared>>
      tpu.enqueue_indirect_dma source(%arg9 : memref<80x128xf32, #tpu.memory_space<vmem>>) target(%dma_start3A_97 : memref<5248x128xf32, #tpu.memory_space<vmem_shared>>) offsets(%dma_start3A_94 : memref<80xi32, #tpu.memory_space<vmem>>) semaphore(%arg14 : memref<!tpu.dma_semaphore, #tpu.memory_space<semaphore_mem>>) {add = true}
      %mul3A_98 = arith.constant 2 : i32
      %mul3A_99 = arith.muli %mul3A_98, %scan3A_65 : i32
      %add3A_100 = arith.constant 1 : i32
      %add3A_101 = arith.addi %mul3A_99, %add3A_100 : i32
      %dma_wait3A_102 = arith.constant 0 : i32
      %dma_wait3A_103 = tpu.memref_slice %arg8[%add3A_101, %dma_wait3A_102] : memref<250x80xi32, #tpu.memory_space<vmem>> -> memref<1x80xi32, #tpu.memory_space<vmem>>
      %dma_wait3A_104 = tpu.memref_squeeze %dma_wait3A_103 : memref<1x80xi32, #tpu.memory_space<vmem>> -> memref<80xi32, #tpu.memory_space<vmem>>
      %dma_wait3A_105 = arith.constant 0 : i32
      %dma_wait3A_106 = arith.constant 0 : i32
      %dma_wait3A_107 = tpu.memref_slice %arg11[%dma_wait3A_105, %dma_wait3A_106] : memref<5248x128xf32, #tpu.memory_space<vmem_shared>> -> memref<5248x128xf32, #tpu.memory_space<vmem_shared>>
      tpu.wait_indirect_dma semaphore(%arg15 : memref<!tpu.dma_semaphore, #tpu.memory_space<semaphore_mem>>) src(%arg10 : memref<80x128xf32, #tpu.memory_space<vmem>>) dst(%dma_wait3A_107 : memref<5248x128xf32, #tpu.memory_space<vmem_shared>>)
      %add3A_108 = arith.constant 2 : i32
      %add3A_109 = arith.addi %add3A_101, %add3A_108 : i32
      %dma_start3A_110 = arith.constant 0 : i32
      %dma_start3A_111 = tpu.memref_slice %arg7[%add3A_109, %dma_start3A_110] : memref<250x80xi32, #tpu.memory_space<vmem>> -> memref<1x80xi32, #tpu.memory_space<vmem>>
      %dma_start3A_112 = tpu.memref_squeeze %dma_start3A_111 : memref<1x80xi32, #tpu.memory_space<vmem>> -> memref<80xi32, #tpu.memory_space<vmem>>
      %dma_start3A_113 = arith.constant 0 : i32
      %dma_start3A_114 = arith.constant 0 : i32
      %dma_start3A_115 = tpu.memref_slice %arg2[%dma_start3A_113, %dma_start3A_114] : memref<10240x128xf32, #tpu.memory_space<hbm>> -> memref<10240x128xf32, #tpu.memory_space<hbm>>
      tpu.enqueue_indirect_dma source(%dma_start3A_115 : memref<10240x128xf32, #tpu.memory_space<hbm>>) target(%arg10 : memref<80x128xf32, #tpu.memory_space<vmem>>) offsets(%dma_start3A_112 : memref<80xi32, #tpu.memory_space<vmem>>) semaphore(%arg13 : memref<!tpu.dma_semaphore, #tpu.memory_space<semaphore_mem>>)
      %dma_wait3A_116 = arith.constant 0 : i32
      %dma_wait3A_117 = tpu.memref_slice %arg7[%add3A_109, %dma_wait3A_116] : memref<250x80xi32, #tpu.memory_space<vmem>> -> memref<1x80xi32, #tpu.memory_space<vmem>>
      %dma_wait3A_118 = tpu.memref_squeeze %dma_wait3A_117 : memref<1x80xi32, #tpu.memory_space<vmem>> -> memref<80xi32, #tpu.memory_space<vmem>>
      %dma_wait3A_119 = arith.constant 0 : i32
      %dma_wait3A_120 = arith.constant 0 : i32
      %dma_wait3A_121 = tpu.memref_slice %arg2[%dma_wait3A_119, %dma_wait3A_120] : memref<10240x128xf32, #tpu.memory_space<hbm>> -> memref<10240x128xf32, #tpu.memory_space<hbm>>
      tpu.wait_indirect_dma semaphore(%arg13 : memref<!tpu.dma_semaphore, #tpu.memory_space<semaphore_mem>>) src(%dma_wait3A_121 : memref<10240x128xf32, #tpu.memory_space<hbm>>) dst(%arg10 : memref<80x128xf32, #tpu.memory_space<vmem>>)
      %add3A_122 = arith.constant 2 : i32
      %add3A_123 = arith.addi %add3A_101, %add3A_122 : i32
      %dma_start3A_124 = arith.constant 0 : i32
      %dma_start3A_125 = tpu.memref_slice %arg8[%add3A_123, %dma_start3A_124] : memref<250x80xi32, #tpu.memory_space<vmem>> -> memref<1x80xi32, #tpu.memory_space<vmem>>
      %dma_start3A_126 = tpu.memref_squeeze %dma_start3A_125 : memref<1x80xi32, #tpu.memory_space<vmem>> -> memref<80xi32, #tpu.memory_space<vmem>>
      %dma_start3A_127 = arith.constant 0 : i32
      %dma_start3A_128 = arith.constant 0 : i32
      %dma_start3A_129 = tpu.memref_slice %arg11[%dma_start3A_127, %dma_start3A_128] : memref<5248x128xf32, #tpu.memory_space<vmem_shared>> -> memref<5248x128xf32, #tpu.memory_space<vmem_shared>>
      tpu.enqueue_indirect_dma source(%arg10 : memref<80x128xf32, #tpu.memory_space<vmem>>) target(%dma_start3A_129 : memref<5248x128xf32, #tpu.memory_space<vmem_shared>>) offsets(%dma_start3A_126 : memref<80xi32, #tpu.memory_space<vmem>>) semaphore(%arg15 : memref<!tpu.dma_semaphore, #tpu.memory_space<semaphore_mem>>) {add = true}
    }
    %scan3A_47 = arith.constant 124 : i32
    %dma_wait3A_48 = arith.constant 0 : i32
    %dma_wait3A_49 = arith.constant 0 : i32
    %dma_wait3A_50 = tpu.memref_slice %arg8[%dma_wait3A_48, %dma_wait3A_49] : memref<250x80xi32, #tpu.memory_space<vmem>> -> memref<1x80xi32, #tpu.memory_space<vmem>>
    %dma_wait3A_51 = tpu.memref_squeeze %dma_wait3A_50 : memref<1x80xi32, #tpu.memory_space<vmem>> -> memref<80xi32, #tpu.memory_space<vmem>>
    %dma_wait3A_52 = arith.constant 0 : i32
    %dma_wait3A_53 = arith.constant 0 : i32
    %dma_wait3A_54 = tpu.memref_slice %arg11[%dma_wait3A_52, %dma_wait3A_53] : memref<5248x128xf32, #tpu.memory_space<vmem_shared>> -> memref<5248x128xf32, #tpu.memory_space<vmem_shared>>
    tpu.wait_indirect_dma semaphore(%arg14 : memref<!tpu.dma_semaphore, #tpu.memory_space<semaphore_mem>>) src(%arg9 : memref<80x128xf32, #tpu.memory_space<vmem>>) dst(%dma_wait3A_54 : memref<5248x128xf32, #tpu.memory_space<vmem_shared>>)
    %dma_wait3A_55 = arith.constant 1 : i32
    %dma_wait3A_56 = arith.constant 0 : i32
    %dma_wait3A_57 = tpu.memref_slice %arg8[%dma_wait3A_55, %dma_wait3A_56] : memref<250x80xi32, #tpu.memory_space<vmem>> -> memref<1x80xi32, #tpu.memory_space<vmem>>
    %dma_wait3A_58 = tpu.memref_squeeze %dma_wait3A_57 : memref<1x80xi32, #tpu.memory_space<vmem>> -> memref<80xi32, #tpu.memory_space<vmem>>
    %dma_wait3A_59 = arith.constant 0 : i32
    %dma_wait3A_60 = arith.constant 0 : i32
    %dma_wait3A_61 = tpu.memref_slice %arg11[%dma_wait3A_59, %dma_wait3A_60] : memref<5248x128xf32, #tpu.memory_space<vmem_shared>> -> memref<5248x128xf32, #tpu.memory_space<vmem_shared>>
    tpu.wait_indirect_dma semaphore(%arg15 : memref<!tpu.dma_semaphore, #tpu.memory_space<semaphore_mem>>) src(%arg10 : memref<80x128xf32, #tpu.memory_space<vmem>>) dst(%dma_wait3A_61 : memref<5248x128xf32, #tpu.memory_space<vmem_shared>>)
    %barrier3A_62 = arith.constant 0 : index
    tpu.barrier barrier_id(%barrier3A_62)
    %mul3A_63 = arith.constant 320 : i32
    %mul3A_64 = arith.muli %arg1, %mul3A_63 : i32
    "tpu.region"() ({
      %run_scoped3A = tpu.sem_alloc : memref<!tpu.dma_semaphore, #tpu.memory_space<semaphore_mem>>
      %dma_start3A_65 = arith.constant 0 : i32
      %dma_start3A_66 = tpu.memref_slice %arg6[%arg0, %mul3A_64, %dma_start3A_65] : memref<2x5120x128xf32, #tpu.memory_space<hbm>> -> memref<1x320x128xf32, #tpu.memory_space<hbm>>
      %dma_start3A_67 = tpu.memref_squeeze %dma_start3A_66 : memref<1x320x128xf32, #tpu.memory_space<hbm>> -> memref<320x128xf32, #tpu.memory_space<hbm>>
      %dma_start3A_68 = arith.constant 0 : i32
      %dma_start3A_69 = tpu.memref_slice %arg11[%mul3A_64, %dma_start3A_68] : memref<5248x128xf32, #tpu.memory_space<vmem_shared>> -> memref<320x128xf32, #tpu.memory_space<vmem_shared>>
      tpu.enqueue_dma source(%dma_start3A_69 : memref<320x128xf32, #tpu.memory_space<vmem_shared>>) target(%dma_start3A_67 : memref<320x128xf32, #tpu.memory_space<hbm>>) target_semaphore(%run_scoped3A : memref<!tpu.dma_semaphore, #tpu.memory_space<semaphore_mem>>)
      %dma_wait3A_70 = arith.constant 0 : i32
      %dma_wait3A_71 = tpu.memref_slice %arg6[%arg0, %mul3A_64, %dma_wait3A_70] : memref<2x5120x128xf32, #tpu.memory_space<hbm>> -> memref<1x320x128xf32, #tpu.memory_space<hbm>>
      %dma_wait3A_72 = tpu.memref_squeeze %dma_wait3A_71 : memref<1x320x128xf32, #tpu.memory_space<hbm>> -> memref<320x128xf32, #tpu.memory_space<hbm>>
      %dma_wait3A_73 = arith.constant 0 : i32
      %dma_wait3A_74 = tpu.memref_slice %arg11[%mul3A_64, %dma_wait3A_73] : memref<5248x128xf32, #tpu.memory_space<vmem_shared>> -> memref<320x128xf32, #tpu.memory_space<vmem_shared>>
      tpu.wait_dma2 semaphore(%run_scoped3A : memref<!tpu.dma_semaphore, #tpu.memory_space<semaphore_mem>>) src(%dma_wait3A_74 : memref<320x128xf32, #tpu.memory_space<vmem_shared>>) dst(%dma_wait3A_72 : memref<320x128xf32, #tpu.memory_space<hbm>>)
      tpu.yield
    }) : () -> ()
    return
  }
}

module attributes {stable_mosaic.version = 14 : i64} {
  func.func @_redirect_body(%arg0: memref<2500x128xi32, #tpu.memory_space<vmem>>, %arg1: memref<2500x128xi32, #tpu.memory_space<vmem>>, %arg2: memref<2x2500x128xi32, #tpu.memory_space<vmem>>, %arg3: memref<2x2500x128xi32, #tpu.memory_space<vmem>>) attributes {dimension_semantics = [], scalar_prefetch = 0 : i64, scratch_operands = 0 : i64, tpu.core_type = #tpu.core_type<tc>} {
    %get3A = arith.constant 0 : index
    %get3A_0 = arith.constant 0 : index
    %get3A_1 = vector.load %arg0[%get3A, %get3A_0] : memref<2500x128xi32, #tpu.memory_space<vmem>>, vector<2500x128xi32>
    %get3A_2 = arith.constant 0 : index
    %get3A_3 = arith.constant 0 : index
    %get3A_4 = vector.load %arg1[%get3A_2, %get3A_3] : memref<2500x128xi32, #tpu.memory_space<vmem>>, vector<2500x128xi32>
    %sub3A = arith.constant 0 : i32
    %sub3A_5 = vector.broadcast %sub3A : i32 to vector<2500x128xi32>
    %sub3A_6 = arith.subi %get3A_1, %sub3A_5 : vector<2500x128xi32>
    %sub3A_7 = arith.constant 0 : i32
    %sub3A_8 = vector.broadcast %sub3A_7 : i32 to vector<2500x128xi32>
    %sub3A_9 = arith.subi %get3A_4, %sub3A_8 : vector<2500x128xi32>
    %ge3A = arith.constant 0 : i32
    %ge3A_10 = vector.broadcast %ge3A : i32 to vector<2500x128xi32>
    %ge3A_11 = arith.cmpi sge, %sub3A_6, %ge3A_10 : vector<2500x128xi32>
    %lt3A = arith.constant 5120 : i32
    %lt3A_12 = vector.broadcast %lt3A : i32 to vector<2500x128xi32>
    %lt3A_13 = arith.cmpi slt, %sub3A_6, %lt3A_12 : vector<2500x128xi32>
    %and3A = arith.andi %ge3A_11, %lt3A_13 : vector<2500x128xi1>
    %jit3A = arith.constant 5120 : i32
    %broadcast_in_dim3A = vector.broadcast %jit3A : i32 to vector<2500x128xi32>
    %select_n3A = arith.select %and3A, %sub3A_6, %broadcast_in_dim3A : vector<2500x128xi1>, vector<2500x128xi32>
    %swap3A = arith.constant 0 : index
    %swap3A_14 = arith.constant 0 : index
    %swap3A_15 = arith.constant 0 : index
    %swap3A_16 = vector.load %arg2[%swap3A, %swap3A_14, %swap3A_15] : memref<2x2500x128xi32, #tpu.memory_space<vmem>>, vector<1x2500x128xi32>
    %swap3A_17 = vector.shape_cast %swap3A_16 : vector<1x2500x128xi32> to vector<2500x128xi32>
    %swap3A_18 = vector.shape_cast %select_n3A : vector<2500x128xi32> to vector<1x2500x128xi32>
    tpu.vector_store %arg2[%swap3A, %swap3A_14, %swap3A_15], %swap3A_18 {strides = array<i32>} : memref<2x2500x128xi32, #tpu.memory_space<vmem>>, vector<1x2500x128xi32>,
    %ge3A_19 = arith.constant 0 : i32
    %ge3A_20 = vector.broadcast %ge3A_19 : i32 to vector<2500x128xi32>
    %ge3A_21 = arith.cmpi sge, %sub3A_9, %ge3A_20 : vector<2500x128xi32>
    %lt3A_22 = arith.constant 5120 : i32
    %lt3A_23 = vector.broadcast %lt3A_22 : i32 to vector<2500x128xi32>
    %lt3A_24 = arith.cmpi slt, %sub3A_9, %lt3A_23 : vector<2500x128xi32>
    %and3A_25 = arith.andi %ge3A_21, %lt3A_24 : vector<2500x128xi1>
    %jit3A_26 = arith.constant 5120 : i32
    %broadcast_in_dim3A_27 = vector.broadcast %jit3A_26 : i32 to vector<2500x128xi32>
    %select_n3A_28 = arith.select %and3A_25, %sub3A_9, %broadcast_in_dim3A_27 : vector<2500x128xi1>, vector<2500x128xi32>
    %swap3A_29 = arith.constant 0 : index
    %swap3A_30 = arith.constant 0 : index
    %swap3A_31 = arith.constant 0 : index
    %swap3A_32 = vector.load %arg3[%swap3A_29, %swap3A_30, %swap3A_31] : memref<2x2500x128xi32, #tpu.memory_space<vmem>>, vector<1x2500x128xi32>
    %swap3A_33 = vector.shape_cast %swap3A_32 : vector<1x2500x128xi32> to vector<2500x128xi32>
    %swap3A_34 = vector.shape_cast %select_n3A_28 : vector<2500x128xi32> to vector<1x2500x128xi32>
    tpu.vector_store %arg3[%swap3A_29, %swap3A_30, %swap3A_31], %swap3A_34 {strides = array<i32>} : memref<2x2500x128xi32, #tpu.memory_space<vmem>>, vector<1x2500x128xi32>,
    %sub3A_35 = arith.constant 5120 : i32
    %sub3A_36 = vector.broadcast %sub3A_35 : i32 to vector<2500x128xi32>
    %sub3A_37 = arith.subi %get3A_1, %sub3A_36 : vector<2500x128xi32>
    %sub3A_38 = arith.constant 5120 : i32
    %sub3A_39 = vector.broadcast %sub3A_38 : i32 to vector<2500x128xi32>
    %sub3A_40 = arith.subi %get3A_4, %sub3A_39 : vector<2500x128xi32>
    %ge3A_41 = arith.constant 0 : i32
    %ge3A_42 = vector.broadcast %ge3A_41 : i32 to vector<2500x128xi32>
    %ge3A_43 = arith.cmpi sge, %sub3A_37, %ge3A_42 : vector<2500x128xi32>
    %lt3A_44 = arith.constant 5120 : i32
    %lt3A_45 = vector.broadcast %lt3A_44 : i32 to vector<2500x128xi32>
    %lt3A_46 = arith.cmpi slt, %sub3A_37, %lt3A_45 : vector<2500x128xi32>
    %and3A_47 = arith.andi %ge3A_43, %lt3A_46 : vector<2500x128xi1>
    %jit3A_48 = arith.constant 5120 : i32
    %broadcast_in_dim3A_49 = vector.broadcast %jit3A_48 : i32 to vector<2500x128xi32>
    %select_n3A_50 = arith.select %and3A_47, %sub3A_37, %broadcast_in_dim3A_49 : vector<2500x128xi1>, vector<2500x128xi32>
    %swap3A_51 = arith.constant 1 : index
    %swap3A_52 = arith.constant 0 : index
    %swap3A_53 = arith.constant 0 : index
    %swap3A_54 = vector.load %arg2[%swap3A_51, %swap3A_52, %swap3A_53] : memref<2x2500x128xi32, #tpu.memory_space<vmem>>, vector<1x2500x128xi32>
    %swap3A_55 = vector.shape_cast %swap3A_54 : vector<1x2500x128xi32> to vector<2500x128xi32>
    %swap3A_56 = vector.shape_cast %select_n3A_50 : vector<2500x128xi32> to vector<1x2500x128xi32>
    tpu.vector_store %arg2[%swap3A_51, %swap3A_52, %swap3A_53], %swap3A_56 {strides = array<i32>} : memref<2x2500x128xi32, #tpu.memory_space<vmem>>, vector<1x2500x128xi32>,
    %ge3A_57 = arith.constant 0 : i32
    %ge3A_58 = vector.broadcast %ge3A_57 : i32 to vector<2500x128xi32>
    %ge3A_59 = arith.cmpi sge, %sub3A_40, %ge3A_58 : vector<2500x128xi32>
    %lt3A_60 = arith.constant 5120 : i32
    %lt3A_61 = vector.broadcast %lt3A_60 : i32 to vector<2500x128xi32>
    %lt3A_62 = arith.cmpi slt, %sub3A_40, %lt3A_61 : vector<2500x128xi32>
    %and3A_63 = arith.andi %ge3A_59, %lt3A_62 : vector<2500x128xi1>
    %jit3A_64 = arith.constant 5120 : i32
    %broadcast_in_dim3A_65 = vector.broadcast %jit3A_64 : i32 to vector<2500x128xi32>
    %select_n3A_66 = arith.select %and3A_63, %sub3A_40, %broadcast_in_dim3A_65 : vector<2500x128xi1>, vector<2500x128xi32>
    %swap3A_67 = arith.constant 1 : index
    %swap3A_68 = arith.constant 0 : index
    %swap3A_69 = arith.constant 0 : index
    %swap3A_70 = vector.load %arg3[%swap3A_67, %swap3A_68, %swap3A_69] : memref<2x2500x128xi32, #tpu.memory_space<vmem>>, vector<1x2500x128xi32>
    %swap3A_71 = vector.shape_cast %swap3A_70 : vector<1x2500x128xi32> to vector<2500x128xi32>
    %swap3A_72 = vector.shape_cast %select_n3A_66 : vector<2500x128xi32> to vector<1x2500x128xi32>
    tpu.vector_store %arg3[%swap3A_67, %swap3A_68, %swap3A_69], %swap3A_72 {strides = array<i32>} : memref<2x2500x128xi32, #tpu.memory_space<vmem>>, vector<1x2500x128xi32>,
    return
  }
}

module attributes {stable_mosaic.version = 14 : i64} {
  func.func @_scale_body(%arg0: i32, %arg1: memref<2048x128xf32, #tpu.memory_space<vmem>>, %arg2: memref<2048x1xf32, #tpu.memory_space<vmem>>, %arg3: memref<2048x128xf32, #tpu.memory_space<vmem>>) attributes {dimension_semantics = [#tpu.dimension_semantics<arbitrary>], iteration_bounds = array<i64: 5>, scalar_prefetch = 0 : i64, scratch_operands = 0 : i64, tpu.core_type = #tpu.core_type<tc>, window_params = [{transform_indices = @transform_0, window_bounds = array<i64: 2048, 128>}, {transform_indices = @transform_1, window_bounds = array<i64: 2048, 1>}, {transform_indices = @transform_2, window_bounds = array<i64: 2048, 128>}]} {
    %get3A = arith.constant 0 : index
    %get3A_0 = arith.constant 0 : index
    %get3A_1 = vector.load %arg1[%get3A, %get3A_0] : memref<2048x128xf32, #tpu.memory_space<vmem>>, vector<2048x128xf32>
    %get3A_2 = arith.constant 0 : index
    %get3A_3 = arith.constant 0 : index
    %get3A_4 = vector.load %arg2[%get3A_2, %get3A_3] : memref<2048x1xf32, #tpu.memory_space<vmem>>, vector<2048x1xf32>
    %mul3A = vector.broadcast %get3A_4 : vector<2048x1xf32> to vector<2048x128xf32>
    %mul3A_5 = arith.mulf %get3A_1, %mul3A : vector<2048x128xf32>
    %swap3A = arith.constant 0 : index
    %swap3A_6 = arith.constant 0 : index
    %swap3A_7 = vector.load %arg3[%swap3A, %swap3A_6] : memref<2048x128xf32, #tpu.memory_space<vmem>>, vector<2048x128xf32>
    tpu.vector_store %arg3[%swap3A, %swap3A_6], %mul3A_5 {strides = array<i32>} : memref<2048x128xf32, #tpu.memory_space<vmem>>, vector<2048x128xf32>,
    return
  }
  func.func @transform_0(%arg0: i32) -> (i32, i32) {
    %c0_i32 = arith.constant 0 : i32
    %c0_i32_0 = arith.constant 0 : i32
    return %arg0, %c0_i32 : i32, i32
  }
  func.func @transform_1(%arg0: i32) -> (i32, i32) {
    %c0_i32 = arith.constant 0 : i32
    %c0_i32_0 = arith.constant 0 : i32
    return %arg0, %c0_i32 : i32, i32
  }
  func.func @transform_2(%arg0: i32) -> (i32, i32) {
    %c0_i32 = arith.constant 0 : i32
    %c0_i32_0 = arith.constant 0 : i32
    return %arg0, %c0_i32 : i32, i32
  }
}

module attributes {stable_mosaic.version = 14 : i64} {
  func.func @_layer_body(%arg0: i32, %arg1: memref<2048x128xf32, #tpu.memory_space<vmem>>, %arg2: memref<2048x1xf32, #tpu.memory_space<vmem>>, %arg3: memref<2048x1xf32, #tpu.memory_space<vmem>>, %arg4: memref<128x128xf32, #tpu.memory_space<vmem>>, %arg5: memref<1x128xf32, #tpu.memory_space<vmem>>, %arg6: memref<2048x128xf32, #tpu.memory_space<vmem>>) attributes {dimension_semantics = [#tpu.dimension_semantics<arbitrary>], iteration_bounds = array<i64: 5>, scalar_prefetch = 0 : i64, scratch_operands = 0 : i64, tpu.core_type = #tpu.core_type<tc>, window_params = [{transform_indices = @transform_0, window_bounds = array<i64: 2048, 128>}, {transform_indices = @transform_1, window_bounds = array<i64: 2048, 1>}, {transform_indices = @transform_2, window_bounds = array<i64: 2048, 1>}, {pipeline_mode = #tpu.pipeline_mode<synchronous>, transform_indices = @transform_3, window_bounds = array<i64: 128, 128>}, {pipeline_mode = #tpu.pipeline_mode<synchronous>, transform_indices = @transform_4, window_bounds = array<i64: 1, 128>}, {transform_indices = @transform_5, window_bounds = array<i64: 2048, 128>}]} {
    %get3A = arith.constant 0 : index
    %get3A_0 = arith.constant 0 : index
    %get3A_1 = vector.load %arg1[%get3A, %get3A_0] : memref<2048x128xf32, #tpu.memory_space<vmem>>, vector<2048x128xf32>
    %get3A_2 = arith.constant 0 : index
    %get3A_3 = arith.constant 0 : index
    %get3A_4 = vector.load %arg2[%get3A_2, %get3A_3] : memref<2048x1xf32, #tpu.memory_space<vmem>>, vector<2048x1xf32>
    %mul3A = vector.broadcast %get3A_4 : vector<2048x1xf32> to vector<2048x128xf32>
    %mul3A_5 = arith.mulf %get3A_1, %mul3A : vector<2048x128xf32>
    %get3A_6 = arith.constant 0 : index
    %get3A_7 = arith.constant 0 : index
    %get3A_8 = vector.load %arg4[%get3A_6, %get3A_7] : memref<128x128xf32, #tpu.memory_space<vmem>>, vector<128x128xf32>
    %dot_general3A = arith.constant dense<0.000000e+00> : vector<2048x128xf32>
    %dot_general3A_9 = tpu.matmul %mul3A_5, %get3A_8, %dot_general3A {dimension_numbers = #tpu.dot_dimension_numbers<[1], [0], [0], [1], [0, 0, 1, 1], [], []>, transpose_lhs_hint = false} : vector<2048x128xf32>, vector<128x128xf32>, vector<2048x128xf32> -> vector<2048x128xf32>
    %get3A_10 = arith.constant 0 : index
    %get3A_11 = arith.constant 0 : index
    %get3A_12 = vector.load %arg5[%get3A_10, %get3A_11] : memref<1x128xf32, #tpu.memory_space<vmem>>, vector<1x128xf32>
    %add3A = vector.broadcast %get3A_12 : vector<1x128xf32> to vector<2048x128xf32>
    %add3A_13 = arith.addf %dot_general3A_9, %add3A : vector<2048x128xf32>
    %max3A = arith.constant 0.000000e+00 : f32
    %max3A_14 = vector.broadcast %max3A : f32 to vector<2048x128xf32>
    %max3A_15 = arith.maximumf %add3A_13, %max3A_14 : vector<2048x128xf32>
    %get3A_16 = arith.constant 0 : index
    %get3A_17 = arith.constant 0 : index
    %get3A_18 = vector.load %arg3[%get3A_16, %get3A_17] : memref<2048x1xf32, #tpu.memory_space<vmem>>, vector<2048x1xf32>
    %mul3A_19 = vector.broadcast %get3A_18 : vector<2048x1xf32> to vector<2048x128xf32>
    %mul3A_20 = arith.mulf %max3A_15, %mul3A_19 : vector<2048x128xf32>
    %swap3A = arith.constant 0 : index
    %swap3A_21 = arith.constant 0 : index
    %swap3A_22 = vector.load %arg6[%swap3A, %swap3A_21] : memref<2048x128xf32, #tpu.memory_space<vmem>>, vector<2048x128xf32>
    tpu.vector_store %arg6[%swap3A, %swap3A_21], %mul3A_20 {strides = array<i32>} : memref<2048x128xf32, #tpu.memory_space<vmem>>, vector<2048x128xf32>,
    return
  }
  func.func @transform_0(%arg0: i32) -> (i32, i32) {
    %c0_i32 = arith.constant 0 : i32
    %c0_i32_0 = arith.constant 0 : i32
    return %arg0, %c0_i32 : i32, i32
  }
  func.func @transform_1(%arg0: i32) -> (i32, i32) {
    %c0_i32 = arith.constant 0 : i32
    %c0_i32_0 = arith.constant 0 : i32
    return %arg0, %c0_i32 : i32, i32
  }
  func.func @transform_2(%arg0: i32) -> (i32, i32) {
    %c0_i32 = arith.constant 0 : i32
    %c0_i32_0 = arith.constant 0 : i32
    return %arg0, %c0_i32 : i32, i32
  }
  func.func @transform_3(%arg0: i32) -> (i32, i32) {
    %c0_i32 = arith.constant 0 : i32
    %c0_i32_0 = arith.constant 0 : i32
    %c0_i32_1 = arith.constant 0 : i32
    return %c0_i32, %c0_i32_0 : i32, i32
  }
  func.func @transform_4(%arg0: i32) -> (i32, i32) {
    %c0_i32 = arith.constant 0 : i32
    %c0_i32_0 = arith.constant 0 : i32
    %c0_i32_1 = arith.constant 0 : i32
    return %c0_i32, %c0_i32_0 : i32, i32
  }
  func.func @transform_5(%arg0: i32) -> (i32, i32) {
    %c0_i32 = arith.constant 0 : i32
    %c0_i32_0 = arith.constant 0 : i32
    return %arg0, %c0_i32 : i32, i32
  }
}

module attributes {stable_mosaic.version = 14 : i64} {
  func.func @_norm_body(%arg0: i32, %arg1: memref<2048x128xf32, #tpu.memory_space<vmem>>, %arg2: memref<2048x128xf32, #tpu.memory_space<vmem>>, %arg3: memref<2048x1xf32, #tpu.memory_space<vmem>>, %arg4: memref<2048x1xf32, #tpu.memory_space<vmem>>) attributes {dimension_semantics = [#tpu.dimension_semantics<arbitrary>], iteration_bounds = array<i64: 5>, scalar_prefetch = 0 : i64, scratch_operands = 0 : i64, tpu.core_type = #tpu.core_type<tc>, window_params = [{transform_indices = @transform_0, window_bounds = array<i64: 2048, 128>}, {transform_indices = @transform_1, window_bounds = array<i64: 2048, 128>}, {transform_indices = @transform_2, window_bounds = array<i64: 2048, 1>}, {transform_indices = @transform_3, window_bounds = array<i64: 2048, 1>}]} {
    %get3A = arith.constant 0 : index
    %get3A_0 = arith.constant 0 : index
    %get3A_1 = vector.load %arg1[%get3A, %get3A_0] : memref<2048x128xf32, #tpu.memory_space<vmem>>, vector<2048x1xf32>
    %get3A_2 = arith.constant 0 : index
    %get3A_3 = arith.constant 0 : index
    %get3A_4 = vector.load %arg2[%get3A_2, %get3A_3] : memref<2048x128xf32, #tpu.memory_space<vmem>>, vector<2048x1xf32>
    %gt3A = arith.constant 0.000000e+00 : f32
    %gt3A_5 = vector.broadcast %gt3A : f32 to vector<2048x1xf32>
    %gt3A_6 = arith.cmpf ogt, %get3A_1, %gt3A_5 : vector<2048x1xf32>
    %max3A = arith.constant 1.000000e+00 : f32
    %max3A_7 = vector.broadcast %max3A : f32 to vector<2048x1xf32>
    %max3A_8 = arith.maximumf %get3A_1, %max3A_7 : vector<2048x1xf32>
    %rsqrt3A = math.rsqrt %max3A_8 : vector<2048x1xf32>
    %jit3A = arith.constant 0.000000e+00 : f32
    %broadcast_in_dim3A = vector.broadcast %jit3A : f32 to vector<2048x1xf32>
    %select_n3A = arith.select %gt3A_6, %rsqrt3A, %broadcast_in_dim3A : vector<2048x1xi1>, vector<2048x1xf32>
    %swap3A = arith.constant 0 : index
    %swap3A_9 = arith.constant 0 : index
    %swap3A_10 = vector.load %arg3[%swap3A, %swap3A_9] : memref<2048x1xf32, #tpu.memory_space<vmem>>, vector<2048x1xf32>
    tpu.vector_store %arg3[%swap3A, %swap3A_9], %select_n3A {strides = array<i32>} : memref<2048x1xf32, #tpu.memory_space<vmem>>, vector<2048x1xf32>,
    %gt3A_11 = arith.constant 0.000000e+00 : f32
    %gt3A_12 = vector.broadcast %gt3A_11 : f32 to vector<2048x1xf32>
    %gt3A_13 = arith.cmpf ogt, %get3A_4, %gt3A_12 : vector<2048x1xf32>
    %max3A_14 = arith.constant 1.000000e+00 : f32
    %max3A_15 = vector.broadcast %max3A_14 : f32 to vector<2048x1xf32>
    %max3A_16 = arith.maximumf %get3A_4, %max3A_15 : vector<2048x1xf32>
    %rsqrt3A_17 = math.rsqrt %max3A_16 : vector<2048x1xf32>
    %jit3A_18 = arith.constant 0.000000e+00 : f32
    %broadcast_in_dim3A_19 = vector.broadcast %jit3A_18 : f32 to vector<2048x1xf32>
    %select_n3A_20 = arith.select %gt3A_13, %rsqrt3A_17, %broadcast_in_dim3A_19 : vector<2048x1xi1>, vector<2048x1xf32>
    %swap3A_21 = arith.constant 0 : index
    %swap3A_22 = arith.constant 0 : index
    %swap3A_23 = vector.load %arg4[%swap3A_21, %swap3A_22] : memref<2048x1xf32, #tpu.memory_space<vmem>>, vector<2048x1xf32>
    tpu.vector_store %arg4[%swap3A_21, %swap3A_22], %select_n3A_20 {strides = array<i32>} : memref<2048x1xf32, #tpu.memory_space<vmem>>, vector<2048x1xf32>,
    return
  }
  func.func @transform_0(%arg0: i32) -> (i32, i32) {
    %c0_i32 = arith.constant 0 : i32
    %c0_i32_0 = arith.constant 0 : i32
    return %arg0, %c0_i32 : i32, i32
  }
  func.func @transform_1(%arg0: i32) -> (i32, i32) {
    %c0_i32 = arith.constant 0 : i32
    %c0_i32_0 = arith.constant 0 : i32
    return %arg0, %c0_i32 : i32, i32
  }
  func.func @transform_2(%arg0: i32) -> (i32, i32) {
    %c0_i32 = arith.constant 0 : i32
    %c0_i32_0 = arith.constant 0 : i32
    return %arg0, %c0_i32 : i32, i32
  }
  func.func @transform_3(%arg0: i32) -> (i32, i32) {
    %c0_i32 = arith.constant 0 : i32
    %c0_i32_0 = arith.constant 0 : i32
    return %arg0, %c0_i32 : i32, i32
  }
}

</mosaic_0001>

<sc_bundles>
// kernel: kernel.10.cloned.1.call-start
scs
__scs_entry_jumppad:
0x0: {  	(pc) =	sbr.rel $0x88, $3  }
0x1: {  	(tag) =	ssettag $0x0;
	lr =	simm.s32 $0x1  }
0x2: {  	[smem:$0x3F9B] =	sst lr;
	_ =	strace $0xD0000000  }
0x3: {  	_ = 	snop  }
0x4: {  	_ = 	snop  }
0x5: {  	_ = 	snop  }
0x6: {  	_ = 	snop  }
0x7: {  	_ = 	snop  }
__scs_overlays_trampoline_lowered:
0x8: {  	[smem:$0x3FAA] =	sst s0  }
0x9: {  	[smem:$0x3FAB] =	sst s1  }
0xa: {  	[smem:$0x3FAC] =	sst s2  }
0xb: {  	[smem:$0x3FAD] =	sst s3  }
0xc: {  	[smem:$0x3FAE] =	sst s4  }
0xd: {  	[smem:$0x3FAF] =	sst s5  }
0xe: {  	[smem:$0x3FB0] =	sst s6  }
0xf: {  	[smem:$0x3FB1] =	sst s7  }
0x10: {  	[smem:$0x3FB2] =	sst s8  }
0x11: {  	[smem:$0x3FB3] =	sst s9;
	s0 =	simm.s32 @!p0 $0x0  }
0x12: {  	s1 =	sld [smem:$0x3F99];
	s0 =	simm.s32 @p0 $0x1  }
0x13: {  	[smem:$0x3FB4] =	sst s0;
	s0 =	simm.s32 @!p1 $0x0  }
0x14: {  	s2 =	sld [smem:$0x3F98];
	s0 =	simm.s32 @p1 $0x1  }
0x15: {  	[smem:$0x3FB5] =	sst s0;
	s0 =	simm.s32 @!p2 $0x0  }
0x16: {  	s3 =	sld [smem:$0x3FDB];
	s0 =	simm.s32 @p2 $0x1  }
0x17: {  	s4 =	simm.s32 $0x1BF5;
	[smem:$0x3FB7] =	sst s0  }
0x18: {  	s0 =	sld [smem:$0x3F9A];
	_ =	swait.ge [sflag:s4], $0x0  }
0x19: {  	s7 =	sld [smem:$0x3F9B]  }
0x1a: {  	s8 =	sadd.s32 $0xFFFFE003, lr  }
0x1b: {  	s9 =	sadd.s32 $0xFFFFFEF7, lr;
	s5 =	simm.s32 $0xFFFFFFFF;
	p2 =	slt.u32 s8, $0xFFFFF086  }
0x1c: {  	p1 =	slt.u32 s9, $0xF7A;
	s5 =	simm.s32 @!p2 $0x0  }
0x1d: {  	s5 =	simm.s32 @p1 $0x1;
	p0 =	seq.s32 s7, s2  }
0x1e: {  	s7 =	smul.u32 @!p0 $0xF7A, s2;
	p2 =	seq.s32 @!p0 s5, $0x0  }
0x1f: {  	s9 =	smul.u32 $0xF7A, s1;
	s8 =	simm.s32 @!p0 $0x1BF5;
	p2 =	por !p2, p0  }
0x20: {  	[sflag:s8] =	ssyncset.s32 @!p0 $0xFFFFF086;
	s6 =	sadd.s32 @!p0 s3, s7;
	s7 =	simm.s32 @!p0 $0x108  }
0x21: {  	s3 =	sadd.s32 s3, s9;
	s6 =	sadd.s32 @!p0 $0x88, s6;
	s7 =	simm.s32 @p2 $0x1082  }
0x22: {  	[simem:s7], [sflag:s8] =	dma.local @!p0 [hbm:s6], $0xF7A  }
0x23: {  	s9 =	sor.u32 $0xD0000000, s2;
	s6 =	simm.s32 $0x108;
	_ =	swait.ge @!p0 [sflag:s8], $0x0  }
0x24: {  	s3 =	sadd.s32 $0x88, s3;
	s6 =	simm.s32 @!p1 $0x1082;
	[sflag:s4] =	ssyncset.s32 $0xFFFFF086  }
0x25: {  	[simem:s6], [sflag:s4] =	dma.local [hbm:s3], $0xF7A  }
0x26: {  	[smem:$0x3F9B] =	sst s1;
	(tag) =	ssettag s2;
	_ =	strace s9  }
0x27: {  	s1 =	sld [smem:$0x3FAB]  }
0x28: {  	s2 =	sld [smem:$0x3FAC]  }
0x29: {  	s4 =	sld [smem:$0x3FAE]  }
0x2a: {  	p0 =	seq.s32 s5, $0x0;
	s5 =	sld [smem:$0x3FAF]  }
0x2b: {  	s6 =	sld [smem:$0x3FB0]  }
0x2c: {  	s7 =	sld [smem:$0x3FB1]  }
0x2d: {  	s3 =	simm.s32 $0x108;
	s8 =	sld [smem:$0x3FB2]  }
0x2e: {  	s3 =	simm.s32 @!p0 $0x1082;
	s9 =	sld [smem:$0x3FB3]  }
0x2f: {  	lr =	sadd.s32 s0, s3;
	s0 =	sld [smem:$0x3FAA]  }
0x30: {  	s3 =	sld [smem:$0x3FAD]  }
0x31: {  	[smem:$0x3FB6] =	sst s10  }
0x32: {  	s10 =	sld [smem:$0x3FB4];
	_ =	sdelay $0x3  }
0x33: {  	p0 =	seq.s32 s10, $0x1;
	s10 =	sld [smem:$0x3FB6];
	_ =	sdelay $0x3  }
0x34: {  	[smem:$0x3FB6] =	sst s10  }
0x35: {  	s10 =	sld [smem:$0x3FB5];
	_ =	sdelay $0x3  }
0x36: {  	p1 =	seq.s32 s10, $0x1;
	s10 =	sld [smem:$0x3FB6];
	_ =	sdelay $0x3  }
0x37: {  	[smem:$0x3FB6] =	sst s10  }
0x38: {  	s10 =	sld [smem:$0x3FB7]  }
0x39: {  	_ = 	snop;
	(pc) =	sbr.ind lr, $3  }
0x3a: {  	_ = 	snop  }
0x3b: {  	_ = 	snop  }
0x3c: {  	p2 =	seq.s32 s10, $0x1;
	s10 =	sld [smem:$0x3FB6]  }
0x3d: {  	_ =	shalt  }
0x3e: {  	_ =	shalt  }
0x3f: {  	_ =	shalt  }
0x40: {  	_ =	shalt  }
0x41: {  	_ =	shalt  }
0x42: {  	_ =	shalt  }
0x43: {  	_ =	shalt  }
0x44: {  	_ =	shalt  }
0x45: {  	_ =	shalt  }
0x46: {  	_ =	shalt  }
0x47: {  	_ =	shalt  }
0x48: {  	_ =	shalt  }
0x49: {  	_ =	shalt  }
0x4a: {  	_ =	shalt  }
0x4b: {  	_ =	shalt  }
0x4c: {  	_ =	shalt  }
0x4d: {  	_ =	shalt  }
0x4e: {  	_ =	shalt  }
0x4f: {  	_ =	shalt  }
0x50: {  	_ =	shalt  }
0x51: {  	_ =	shalt  }
0x52: {  	_ =	shalt  }
0x53: {  	_ =	shalt  }
0x54: {  	_ =	shalt  }
0x55: {  	_ =	shalt  }
0x56: {  	_ =	shalt  }
0x57: {  	_ =	shalt  }
0x58: {  	_ =	shalt  }
0x59: {  	_ =	shalt  }
0x5a: {  	_ =	shalt  }
0x5b: {  	_ =	shalt  }
0x5c: {  	_ =	shalt  }
0x5d: {  	_ =	shalt  }
0x5e: {  	_ =	shalt  }
0x5f: {  	_ =	shalt  }
0x60: {  	_ =	shalt  }
0x61: {  	_ =	shalt  }
0x62: {  	_ =	shalt  }
0x63: {  	_ =	shalt  }
0x64: {  	_ =	shalt  }
0x65: {  	_ =	shalt  }
0x66: {  	_ =	shalt  }
0x67: {  	_ =	shalt  }
0x68: {  	_ =	shalt  }
0x69: {  	_ =	shalt  }
0x6a: {  	_ =	shalt  }
0x6b: {  	_ =	shalt  }
0x6c: {  	_ =	shalt  }
0x6d: {  	_ =	shalt  }
0x6e: {  	_ =	shalt  }
0x6f: {  	_ =	shalt  }
0x70: {  	_ =	shalt  }
0x71: {  	_ =	shalt  }
0x72: {  	_ =	shalt  }
0x73: {  	_ =	shalt  }
0x74: {  	_ =	shalt  }
0x75: {  	_ =	shalt  }
0x76: {  	_ =	shalt  }
0x77: {  	_ =	shalt  }
0x78: {  	_ =	shalt  }
0x79: {  	_ =	shalt  }
0x7a: {  	_ =	shalt  }
0x7b: {  	_ =	shalt  }
0x7c: {  	_ =	shalt  }
0x7d: {  	_ =	shalt  }
0x7e: {  	_ =	shalt  }
0x7f: {  	_ =	shalt  }
0x80: {  	_ =	shalt  }
0x81: {  	_ =	shalt  }
0x82: {  	_ =	shalt  }
0x83: {  	_ =	shalt  }
0x84: {  	_ =	shalt  }
0x85: {  	_ =	shalt  }
0x86: {  	_ =	shalt  }
0x87: {  	_ =	shalt  }
.Lfunc_end0:
.L_simem_size_0:
called_computation_lowered:
.L_overlay_start_0:
0x88: {  	s2 =	sld [smem:$0x3FD9]  }
0x89: {  	s3 =	sld [smem:$0x3FFE];
	_ =	sdelay $0x1  }
0x8a: {  	s1 =	srdreg.scid  }
0x8b: {  	s0 =	sand.u32 $0x1, s1  }
0x8c: {  	s17 =	sshll.u32 s0, $0xA;
	s2 =	sadd.s32 s3, s2  }
0x8d: {  	s2 =	sadd.s32 s2, s17  }
0x8e: {  	[smem:$0x3FC2] =	sst s2  }
0x8f: {  	_ = 	snop  }
0x90: {  	s2 =	sld [smem:$0x3FD0];
	(tm) =	ssettm $0x1  }
0x91: {  	s18 =	sld [smem:$0x3FFB];
	_ =	sdelay $0x3  }
0x92: {  	_ =	strace s18  }
0x93: {  	s3 =	sld [smem:$0x3FFC];
	_ =	sdelay $0x3  }
0x94: {  	_ =	strace s3  }
0x95: {  	s3 =	sld [smem:$0x3FFD];
	_ =	sdelay $0x3  }
0x96: {  	_ =	strace s3  }
0x97: {  	_ =	strace $0x8FFFFFFF  }
0x98: {  	s19 =	sld [smem:$0x3FDB];
	_ =	sdelay $0x1  }
0x99: {  	s4 =	simm.s32 $_scs_section_size  }
0x9a: {  	s5 =	simm.s32 $_size__tile_overlayer_lowered;
	s6 =	simm.s32 $_tile_overlayer_lowered  }
0x9b: {  	s22 =	simm.s32 $0x1BFF;
	s21 =	sshll.u32 s6, $0x1;
	s3 =	sadd.s32 s4, s19  }
0x9c: {  	s7 =	simm.s32 $0x0;
	s20 =	sshll.u32 s5, $0x1;
	s5 =	sadd.s32 s21, s3  }
0x9d: {  	[timem:s7], [sflag:s22] =	dma.local [hbm:s5], s20  }
0x9e: {  	_ =	swait.ge [sflag:s22], s20  }
0x9f: {  	s4 =	ssub.s32 $0x0, s20;
	[sflag:s22] =	ssyncset.done $0x0  }
0xa0: {  	[sflag:s22] =	ssyncadd.s32 s4;
	_ =	sdelay $0x1  }
0xa1: {  	s23 =	simm.s32 $0x1B8B  }
0xa2: {  	_ =	swait.ge [sflag:s23], $0x1  }
0xa3: {  	[sflag:s23] =	ssyncset.done $0x0  }
0xa4: {  	s25 =	simm.s32 $0x1B8E;
	s24 =	sld [smem:$0x3FFE];
	[sflag:s23] =	ssyncadd.s32 $0xFFFFFFFF  }
0xa5: {  	s26 =	simm.s32 $execute0_lowered;
	[smem:$0x3FD2] =	sst s25  }
0xa6: {  	s5 =	sshll.u32 s26, $0x1;
	_ =	strace $0x80000046;
	[dreg:$0x1] =	wrdreg $0xFFFFFFFF  }
0xa7: {  	s28 =	simm.s32 $_size_execute0_lowered;
	s3 =	sadd.s32 s3, s5;
	[dreg:$0x0] =	wrdreg $0x0  }
0xa8: {  	s5 =	sshll.u32 s28, $0x1;
	[dreg:$0x2] =	wrdreg s3  }
0xa9: {  	[dreg:$0x3] =	wrdreg s5  }
0xaa: {  	[dreg:$0x4] =	wrdreg $0xC0  }
0xab: {  	_ =	task [dreg:s7], $0x5FFFF  }
0xac: {  	[dreg:$0x1] =	wrdreg $0xFFFFFFFF  }
0xad: {  	[dreg:$0x0] =	wrdreg $0x60  }
0xae: {  	[dreg:$0x2] =	wrdreg s2  }
0xaf: {  	[dreg:$0x3] =	wrdreg s24  }
0xb0: {  	[dreg:$0x4] =	wrdreg $0x128000  }
0xb1: {  	[dreg:$0x5] =	wrdreg $0x9  }
0xb2: {  	_ =	task.clear_ibuf [dreg:s7], $0x6FFFF;
	_ =	strace $0x90000046  }
0xb3: {  	s29 =	simm.s32 $0x9;
	_ =	strace $0x80000048  }
0xb4: {  	_ =	swait.ge [sflag:s29], $0x1  }
0xb5: {  	[sflag:s29] =	ssyncadd.s32 $0xFFFFFFFF  }
0xb6: {  	_ =	strace $0x90000048  }
0xb7: {  	_ =	sfence  }
0xb8: {  	s30 =	sld [smem:$0x0];
	_ =	sdelay $0x2  }
0xb9: {  	s31 =	sshll.u32 s1, $0xD;
	s1 =	sshrl.u32 s1, $0x2  }
0xba: {  	s3 =	sand.u32 $0x4000, s31;
	s1 =	sadd.s32 s1, s30  }
0xbb: {  	s0 =	sor.u32 s3, s0;
	s1 =	sshll.u32 s1, $0x11  }
0xbc: {  	s0 =	sor.u32 s1, s0  }
0xbd: {  	s0 =	sadd.s32 $0x8F2B, s0  }
0xbe: {  	[sflag:s0] =	ssyncadd.remote.s32 $0x1  }
0xbf: {  	_ =	sfence.sel $0xFFFF  }
0xc0: {  	[dreg:$0x0] =	wrdreg $0xFFFFFFFF;
	(pc) =	sbr.abs _section_cstart, $3  }
0xc1: {  	[dreg:$0x1] =	wrdreg $0xFFFFFFFF  }
0xc2: {  	_ =	task.clear_ibuf [dreg:s7], $0x2FFFF;
	_ =	strace $0x9FFFFFFF  }
0xc3: {  	(tm) =	ssettm $0x7FFFFFFF  }
tec
execute0_lowered:
.L_overlay_start_1:
0x0: {  	(tag) =	ssettag $0x1  }
0x1: {  	s5 =	rddreg [dreg:$0x0]  }
0x2: {  	s6 =	rddreg [dreg:$0x1]  }
0x3: {  	s2 =	rddreg [dreg:$0x2]  }
0x4: {  	s0 =	rddreg [dreg:$0x3]  }
0x5: {  	s4 =	srdreg.scid;
	s1 =	stileid.u32;
	s3 =	simm.s32 $0x0  }
0x6: {  	s16 =	simm.s32 $0x50;
	s17 =	simm.s32 $0x80;
	s7 =	smul.u32 $0x1480, s1  }
0x7: {  	s18 =	simm.s32 $0x1;
	s20 =	simm.s32 $0x8080;
	s11 =	smul.u32 $0xA000, s1  }
0x8: {  	s21 =	simm.s32 $0x0;
	s4 =	sand.u32 $0x1, s4;
	s12 =	smul.u32 $0x29000, s1  }
0x9: {  	[smem:$0x7FF] =	sst s3;
	s10 =	sshll.u32 s1, $0xC;
	s30 =	smul.u32 $0x28000, s1  }
0xa: {  	s14 =	sshll.u32 s1, $0x6;
	s8 =	smul.u32 $0xA0000, s4;
	s9 =	sshll.u32 s4, $0x10  }
0xb: {  	_ =	strace $0x80000047;
	s26 =	ssub.s32 $0x2, s4;
	s4 =	sadd.s32 $0x37000, s6  }
0xc: {  	s14 =	sor.u32 $0x1C02, s14;
	s9 =	sor.u32 s10, s9;
	s7 =	sadd.s32 s7, s6  }
0xd: {  	s28 =	sshrl.u32 s26, $0x1;
	s29 =	sshrl.u32 s12, $0x2;
	s31 =	sshrl.u32 s30, $0x2  }
0xe: {  	s12 =	simm.s32 $0x8000;
	s10 =	sadd.s32 s9, s6;
	s8 =	sadd.s32 s11, s8  }
0xf: {  	s11 =	ssub.s32 s26, s28;
	s5 =	sadd.s32 s5, s9;
	s15 =	sadd.s32 s29, s2  }
0x10: {  	s7 =	sadd.s32 $0x22800, s7;
	s19 =	sadd.s32 s31, s2;
	s8 =	sshrl.u32 s8, $0x3  }
0x11: {  	s15 =	sshrl.u32 s15, $0x3;
	s19 =	sshrl.u32 s19, $0x3;
	s13 =	sadd.s32 s8, s6  }
0x12: {  	s6 =	sadd.s32 $0x2800, s10;
	s10 =	smax.u32 s11, $0x1;
	s11 =	simm.s32 $0x2  }
0x13: {  	s8 =	sadd.s32 $0x37600, s13;
	s9 =	sadd.s32 $0x5F600, s13;
	s13 =	simm.s32 $0x10000  }
.LBB2_1:
0x14: {  	[tilespmem:s3], [sflag:$0x2] =	stream.linear.gather [hbm4b:s5+s3], $0x7D00, $0x38;
	[tilespmem:$0x1CC00] =	vst v63  }
0x15: {  	_ =	swait.ge [sflag:s11], $0x7D00  }
0x16: {  	[sflag:s11] =	ssyncset.done $0x0  }
0x17: {  	[sflag:s11] =	ssyncadd.s32 $0xFFFF8300  }
0x18: {  	[tilespmem:s12], [sflag:$0x2] =	stream.linear.gather [hbm4b:s6+s3], $0x7D00, $0x38;
	[tilespmem:$0x1CC00] =	vst v63  }
0x19: {  	_ =	swait.ge [sflag:s11], $0x7D00  }
0x1a: {  	[sflag:s11] =	ssyncset.done $0x0  }
0x1b: {  	[sflag:s11] =	ssyncadd.s32 $0xFFFF8300  }
0x1c: {  	[tilespmem:s13], [sflag:$0x2] =	stream.linear.gather [hbm4b:s4+s3], $0x2800, $0x38;
	[tilespmem:$0x1CC00] =	vst v63  }
0x1d: {  	_ =	swait.ge [sflag:s11], $0x2800  }
0x1e: {  	[sflag:s11] =	ssyncset.done $0x0  }
0x1f: {  	[sflag:s11] =	ssyncadd.s32 $0xFFFFD800  }
0x20: {  	[spmem:s15], [sflag:s14] =	dma.local [hbm:s7], $0x1480  }
0x21: {  	_ =	swait.ge [sflag:s11], $0x1480  }
0x22: {  	[sflag:s11] =	ssyncset.done $0x0  }
0x23: {  	[sflag:s11] =	ssyncadd.s32 $0xFFFFEB80  }
0x24: {  	[bflag:$0x0] =	sbarrier.arrive $0xFFFF  }
0x25: {  	[spmem:s2] =	stream.indirect.scatter.add.f32 [tilespmem:s13], [sflag:$0x1], $0x80, s3, s16, $0xb8;
	[tilespmem:$0x1CC00] =	vst v63  }
0x26: {  	_ = 	snop  }
0x27: {  	[spmem:s2] =	stream.indirect.scatter.add.f32 [tilespmem:s13], [sflag:$0x1], $0x80, s17, s16, $0xb8;
	[tilespmem:$0x1CC00] =	vst v63  }
0x28: {  	s22 =	simm.s32 $0x100  }
0x29: {  	[spmem:s2] =	stream.indirect.scatter.add.f32 [tilespmem:s13], [sflag:$0x1], $0x80, s22, s16, $0xb8;
	[tilespmem:$0x1CC00] =	vst v63  }
0x2a: {  	_ =	swait.ge [sflag:s18], $0x2800  }
0x2b: {  	s22 =	simm.s32 $0x600;
	[sflag:s18] =	ssyncset.done $0x0  }
.LBB2_2:
0x2c: {  	s23 =	sshra.s32 s22, $0x2;
	[sflag:s18] =	ssyncadd.s32 $0xFFFFD800;
	p0 =	sne.s32 s22, $0x1F200  }
0x2d: {  	[spmem:s2] =	stream.indirect.scatter.add.f32 [tilespmem:s13], [sflag:$0x1], $0x80, s23, s16, $0xb8;
	[tilespmem:$0x1CC00] =	vst v63  }
.Ltmp0:
0x2e: {  	_ = 	snop;
	(pc) =	sbr.rel @p0 .LBB2_2-.Ltmp0, $4  }
0x2f: {  	_ = 	snop  }
0x30: {  	s22 =	sadd.s32 $0x200, s22  }
0x31: {  	_ =	swait.ge [sflag:s18], $0x2800  }
0x32: {  	[sflag:s18] =	ssyncset.done $0x0  }
0x33: {  	[sflag:s18] =	ssyncadd.s32 $0xFFFFD800  }
0x34: {  	_ =	swait.ge [sflag:s18], $0x2800  }
0x35: {  	[sflag:s18] =	ssyncset.done $0x0  }
0x36: {  	[sflag:s18] =	ssyncadd.s32 $0xFFFFD800  }
0x37: {  	_ =	swait.ge [sflag:s18], $0x2800  }
0x38: {  	[sflag:s18] =	ssyncset.done $0x0  }
0x39: {  	[sflag:s18] =	ssyncadd.s32 $0xFFFFD800  }
0x3a: {  	[bflag:$0x0] =	sbarrier.arrive $0xFFFF  }
0x3b: {  	[hbm:s8], [sflag:s14] =	dma.local [spmem:s19], $0x1400  }
0x3c: {  	_ =	swait.ge [sflag:s11], $0x1400  }
0x3d: {  	[sflag:s11] =	ssyncset.done $0x0  }
0x3e: {  	[sflag:s11] =	ssyncadd.s32 $0xFFFFEC00  }
0x3f: {  	[bflag:$0x0] =	sbarrier.arrive $0xFFFF  }
0x40: {  	[spmem:s15], [sflag:s14] =	dma.local [hbm:s7], $0x1480  }
0x41: {  	_ =	swait.ge [sflag:s11], $0x1480  }
0x42: {  	[sflag:s11] =	ssyncset.done $0x0  }
0x43: {  	[sflag:s11] =	ssyncadd.s32 $0xFFFFEB80  }
0x44: {  	[bflag:$0x0] =	sbarrier.arrive $0xFFFF  }
0x45: {  	[spmem:s2] =	stream.indirect.scatter.add.f32 [tilespmem:s13], [sflag:$0x1], $0x80, s12, s16, $0xb8;
	[tilespmem:$0x1CC00] =	vst v63  }
0x46: {  	_ = 	snop  }
0x47: {  	[spmem:s2] =	stream.indirect.scatter.add.f32 [tilespmem:s13], [sflag:$0x1], $0x80, s20, s16, $0xb8;
	[tilespmem:$0x1CC00] =	vst v63  }
0x48: {  	s22 =	simm.s32 $0x8100  }
0x49: {  	[spmem:s2] =	stream.indirect.scatter.add.f32 [tilespmem:s13], [sflag:$0x1], $0x80, s22, s16, $0xb8;
	[tilespmem:$0x1CC00] =	vst v63  }
0x4a: {  	s22 =	simm.s32 $0x600;
	_ =	swait.ge [sflag:s18], $0x2800  }
.LBB2_4:
0x4b: {  	s23 =	sshra.s32 s22, $0x2;
	[sflag:s18] =	ssyncset.done $0x0;
	p0 =	sne.s32 s22, $0x1F200  }
.Ltmp1:
0x4c: {  	s23 =	sadd.s32 $0x8000, s23;
	[sflag:s18] =	ssyncadd.s32 $0xFFFFD800;
	(pc) =	sbr.rel @p0 .LBB2_4-.Ltmp1, $3  }
0x4d: {  	[spmem:s2] =	stream.indirect.scatter.add.f32 [tilespmem:s13], [sflag:$0x1], $0x80, s23, s16, $0xb8;
	[tilespmem:$0x1CC00] =	vst v63  }
0x4e: {  	s22 =	sadd.s32 $0x200, s22;
	_ =	sdelay $0x1  }
0x4f: {  	_ =	swait.ge [sflag:s18], $0x2800  }
0x50: {  	[sflag:s18] =	ssyncset.done $0x0  }
0x51: {  	[sflag:s18] =	ssyncadd.s32 $0xFFFFD800  }
0x52: {  	_ =	swait.ge [sflag:s18], $0x2800  }
0x53: {  	[sflag:s18] =	ssyncset.done $0x0  }
0x54: {  	[sflag:s18] =	ssyncadd.s32 $0xFFFFD800  }
0x55: {  	_ =	swait.ge [sflag:s18], $0x2800  }
0x56: {  	[sflag:s18] =	ssyncset.done $0x0  }
0x57: {  	s21 =	sadd.s32 $0x1, s21;
	[sflag:s18] =	ssyncadd.s32 $0xFFFFD800  }
0x58: {  	p0 =	sne.s32 s21, s10;
	[bflag:$0x0] =	sbarrier.arrive $0xFFFF  }
0x59: {  	[hbm:s9], [sflag:s14] =	dma.local [spmem:s19], $0x1400  }
.Ltmp2:
0x5a: {  	_ =	swait.ge [sflag:s11], $0x1400;
	(pc) =	sbr.rel @p0 .LBB2_1-.Ltmp2, $3  }
0x5b: {  	[sflag:s11] =	ssyncset.done $0x0  }
0x5c: {  	[sflag:s11] =	ssyncadd.s32 $0xFFFFEC00  }
0x5d: {  	[bflag:$0x0] =	sbarrier.arrive $0xFFFF;
	_ =	sdelay $0x1  }
0x5e: {  	_ =	sfence.sel $0x180000  }
0x5f: {  	[bflag:$0x0] =	sbarrier.arrive $0xFFFF  }
0x60: {  	p0 =	sne.s32 s1, $0x0;
	_ =	strace $0x90000047  }
0x61: {  	s0 =	sadd.s32 @!p0 $0x100000, s0;
	[bflag:$0x2] =	sbarrier.arrive $0xFFFF  }
0x62: {  	[sflag:s0] =	ssyncadd.tile.s32 @!p0 $0x1;
	_ =	shalt  }
.Lfunc_end2:
_tile_overlayer_lowered:
.L_overlay_start_2:
0x63: {  	(tag) =	ssettag $0x2  }
0x64: {  	s0 =	rddreg [dreg:$0x0];
	s2 =	stileid.u32  }
0x65: {  	s1 =	rddreg [dreg:$0x1];
	p0 =	sne.s32 s2, $0x0  }
0x66: {  	s3 =	rddreg [dreg:$0x2];
	[bflag:$0x3] =	sbarrier.arrive $0xFFFF;
	s2 =	simm.s32 @!p0 $0x1C02  }
0x67: {  	[timem:s3], [sflag:s2] =	dma.local @!p0 [hbm:s0], s1  }
0x68: {  	s0 =	simm.s32 @!p0 $0x2  }
0x69: {  	_ =	swait.ge @!p0 [sflag:s0], s1  }
0x6a: {  	s1 =	ssub.s32 @!p0 $0x0, s1;
	[sflag:s0] =	ssyncset.done @!p0 $0x0  }
0x6b: {  	[sflag:s0] =	ssyncadd.s32 @!p0 s1  }
0x6c: {  	[bflag:$0x3] =	sbarrier.arrive $0xFFFF  }
0x6d: {  	_ =	shalt  }

// kernel: kernel.13.cloned.1.call-start
scs
__scs_entry_jumppad:
0x0: {  	(pc) =	sbr.rel $0x88, $3  }
0x1: {  	(tag) =	ssettag $0x0;
	lr =	simm.s32 $0x1  }
0x2: {  	[smem:$0x3F9B] =	sst lr;
	_ =	strace $0xD0000000  }
0x3: {  	_ = 	snop  }
0x4: {  	_ = 	snop  }
0x5: {  	_ = 	snop  }
0x6: {  	_ = 	snop  }
0x7: {  	_ = 	snop  }
__scs_overlays_trampoline_lowered:
0x8: {  	[smem:$0x3FAA] =	sst s0  }
0x9: {  	[smem:$0x3FAB] =	sst s1  }
0xa: {  	[smem:$0x3FAC] =	sst s2  }
0xb: {  	[smem:$0x3FAD] =	sst s3  }
0xc: {  	[smem:$0x3FAE] =	sst s4  }
0xd: {  	[smem:$0x3FAF] =	sst s5  }
0xe: {  	[smem:$0x3FB0] =	sst s6  }
0xf: {  	[smem:$0x3FB1] =	sst s7  }
0x10: {  	[smem:$0x3FB2] =	sst s8  }
0x11: {  	[smem:$0x3FB3] =	sst s9;
	s0 =	simm.s32 @!p0 $0x0  }
0x12: {  	s1 =	sld [smem:$0x3F99];
	s0 =	simm.s32 @p0 $0x1  }
0x13: {  	[smem:$0x3FB4] =	sst s0;
	s0 =	simm.s32 @!p1 $0x0  }
0x14: {  	s2 =	sld [smem:$0x3F98];
	s0 =	simm.s32 @p1 $0x1  }
0x15: {  	[smem:$0x3FB5] =	sst s0;
	s0 =	simm.s32 @!p2 $0x0  }
0x16: {  	s3 =	sld [smem:$0x3FDB];
	s0 =	simm.s32 @p2 $0x1  }
0x17: {  	s4 =	simm.s32 $0x1BF5;
	[smem:$0x3FB7] =	sst s0  }
0x18: {  	s0 =	sld [smem:$0x3F9A];
	_ =	swait.ge [sflag:s4], $0x0  }
0x19: {  	s7 =	sld [smem:$0x3F9B]  }
0x1a: {  	s8 =	sadd.s32 $0xFFFFE003, lr  }
0x1b: {  	s9 =	sadd.s32 $0xFFFFFEF7, lr;
	s5 =	simm.s32 $0xFFFFFFFF;
	p2 =	slt.u32 s8, $0xFFFFF086  }
0x1c: {  	p1 =	slt.u32 s9, $0xF7A;
	s5 =	simm.s32 @!p2 $0x0  }
0x1d: {  	s5 =	simm.s32 @p1 $0x1;
	p0 =	seq.s32 s7, s2  }
0x1e: {  	s7 =	smul.u32 @!p0 $0xF7A, s2;
	p2 =	seq.s32 @!p0 s5, $0x0  }
0x1f: {  	s9 =	smul.u32 $0xF7A, s1;
	s8 =	simm.s32 @!p0 $0x1BF5;
	p2 =	por !p2, p0  }
0x20: {  	[sflag:s8] =	ssyncset.s32 @!p0 $0xFFFFF086;
	s6 =	sadd.s32 @!p0 s3, s7;
	s7 =	simm.s32 @!p0 $0x108  }
0x21: {  	s3 =	sadd.s32 s3, s9;
	s6 =	sadd.s32 @!p0 $0x88, s6;
	s7 =	simm.s32 @p2 $0x1082  }
0x22: {  	[simem:s7], [sflag:s8] =	dma.local @!p0 [hbm:s6], $0xF7A  }
0x23: {  	s9 =	sor.u32 $0xD0000000, s2;
	s6 =	simm.s32 $0x108;
	_ =	swait.ge @!p0 [sflag:s8], $0x0  }
0x24: {  	s3 =	sadd.s32 $0x88, s3;
	s6 =	simm.s32 @!p1 $0x1082;
	[sflag:s4] =	ssyncset.s32 $0xFFFFF086  }
0x25: {  	[simem:s6], [sflag:s4] =	dma.local [hbm:s3], $0xF7A  }
0x26: {  	[smem:$0x3F9B] =	sst s1;
	(tag) =	ssettag s2;
	_ =	strace s9  }
0x27: {  	s1 =	sld [smem:$0x3FAB]  }
0x28: {  	s2 =	sld [smem:$0x3FAC]  }
0x29: {  	s4 =	sld [smem:$0x3FAE]  }
0x2a: {  	p0 =	seq.s32 s5, $0x0;
	s5 =	sld [smem:$0x3FAF]  }
0x2b: {  	s6 =	sld [smem:$0x3FB0]  }
0x2c: {  	s7 =	sld [smem:$0x3FB1]  }
0x2d: {  	s3 =	simm.s32 $0x108;
	s8 =	sld [smem:$0x3FB2]  }
0x2e: {  	s3 =	simm.s32 @!p0 $0x1082;
	s9 =	sld [smem:$0x3FB3]  }
0x2f: {  	lr =	sadd.s32 s0, s3;
	s0 =	sld [smem:$0x3FAA]  }
0x30: {  	s3 =	sld [smem:$0x3FAD]  }
0x31: {  	[smem:$0x3FB6] =	sst s10  }
0x32: {  	s10 =	sld [smem:$0x3FB4];
	_ =	sdelay $0x3  }
0x33: {  	p0 =	seq.s32 s10, $0x1;
	s10 =	sld [smem:$0x3FB6];
	_ =	sdelay $0x3  }
0x34: {  	[smem:$0x3FB6] =	sst s10  }
0x35: {  	s10 =	sld [smem:$0x3FB5];
	_ =	sdelay $0x3  }
0x36: {  	p1 =	seq.s32 s10, $0x1;
	s10 =	sld [smem:$0x3FB6];
	_ =	sdelay $0x3  }
0x37: {  	[smem:$0x3FB6] =	sst s10  }
0x38: {  	s10 =	sld [smem:$0x3FB7]  }
0x39: {  	_ = 	snop;
	(pc) =	sbr.ind lr, $3  }
0x3a: {  	_ = 	snop  }
0x3b: {  	_ = 	snop  }
0x3c: {  	p2 =	seq.s32 s10, $0x1;
	s10 =	sld [smem:$0x3FB6]  }
0x3d: {  	_ =	shalt  }
0x3e: {  	_ =	shalt  }
0x3f: {  	_ =	shalt  }
0x40: {  	_ =	shalt  }
0x41: {  	_ =	shalt  }
0x42: {  	_ =	shalt  }
0x43: {  	_ =	shalt  }
0x44: {  	_ =	shalt  }
0x45: {  	_ =	shalt  }
0x46: {  	_ =	shalt  }
0x47: {  	_ =	shalt  }
0x48: {  	_ =	shalt  }
0x49: {  	_ =	shalt  }
0x4a: {  	_ =	shalt  }
0x4b: {  	_ =	shalt  }
0x4c: {  	_ =	shalt  }
0x4d: {  	_ =	shalt  }
0x4e: {  	_ =	shalt  }
0x4f: {  	_ =	shalt  }
0x50: {  	_ =	shalt  }
0x51: {  	_ =	shalt  }
0x52: {  	_ =	shalt  }
0x53: {  	_ =	shalt  }
0x54: {  	_ =	shalt  }
0x55: {  	_ =	shalt  }
0x56: {  	_ =	shalt  }
0x57: {  	_ =	shalt  }
0x58: {  	_ =	shalt  }
0x59: {  	_ =	shalt  }
0x5a: {  	_ =	shalt  }
0x5b: {  	_ =	shalt  }
0x5c: {  	_ =	shalt  }
0x5d: {  	_ =	shalt  }
0x5e: {  	_ =	shalt  }
0x5f: {  	_ =	shalt  }
0x60: {  	_ =	shalt  }
0x61: {  	_ =	shalt  }
0x62: {  	_ =	shalt  }
0x63: {  	_ =	shalt  }
0x64: {  	_ =	shalt  }
0x65: {  	_ =	shalt  }
0x66: {  	_ =	shalt  }
0x67: {  	_ =	shalt  }
0x68: {  	_ =	shalt  }
0x69: {  	_ =	shalt  }
0x6a: {  	_ =	shalt  }
0x6b: {  	_ =	shalt  }
0x6c: {  	_ =	shalt  }
0x6d: {  	_ =	shalt  }
0x6e: {  	_ =	shalt  }
0x6f: {  	_ =	shalt  }
0x70: {  	_ =	shalt  }
0x71: {  	_ =	shalt  }
0x72: {  	_ =	shalt  }
0x73: {  	_ =	shalt  }
0x74: {  	_ =	shalt  }
0x75: {  	_ =	shalt  }
0x76: {  	_ =	shalt  }
0x77: {  	_ =	shalt  }
0x78: {  	_ =	shalt  }
0x79: {  	_ =	shalt  }
0x7a: {  	_ =	shalt  }
0x7b: {  	_ =	shalt  }
0x7c: {  	_ =	shalt  }
0x7d: {  	_ =	shalt  }
0x7e: {  	_ =	shalt  }
0x7f: {  	_ =	shalt  }
0x80: {  	_ =	shalt  }
0x81: {  	_ =	shalt  }
0x82: {  	_ =	shalt  }
0x83: {  	_ =	shalt  }
0x84: {  	_ =	shalt  }
0x85: {  	_ =	shalt  }
0x86: {  	_ =	shalt  }
0x87: {  	_ =	shalt  }
.Lfunc_end0:
.L_simem_size_0:
called_computation.1_lowered:
.L_overlay_start_0:
0x88: {  	s2 =	sld [smem:$0x3FD9]  }
0x89: {  	s3 =	sld [smem:$0x3FFE];
	_ =	sdelay $0x1  }
0x8a: {  	s1 =	srdreg.scid  }
0x8b: {  	s0 =	sand.u32 $0x1, s1  }
0x8c: {  	s16 =	sshll.u32 s0, $0xA;
	s2 =	sadd.s32 s3, s2  }
0x8d: {  	s2 =	sadd.s32 s2, s16  }
0x8e: {  	[smem:$0x3FC2] =	sst s2  }
0x8f: {  	_ = 	snop  }
0x90: {  	(tm) =	ssettm $0x1  }
0x91: {  	s17 =	sld [smem:$0x3FFB];
	_ =	sdelay $0x3  }
0x92: {  	_ =	strace s17  }
0x93: {  	s2 =	sld [smem:$0x3FFC];
	_ =	sdelay $0x3  }
0x94: {  	_ =	strace s2  }
0x95: {  	s2 =	sld [smem:$0x3FFD];
	_ =	sdelay $0x3  }
0x96: {  	_ =	strace s2  }
0x97: {  	_ =	strace $0x8FFFFFFF  }
0x98: {  	s18 =	sld [smem:$0x3FDB];
	_ =	sdelay $0x1  }
0x99: {  	s19 =	simm.s32 $_scs_section_size  }
0x9a: {  	s4 =	simm.s32 $_size__tile_overlayer_lowered;
	s5 =	simm.s32 $_tile_overlayer_lowered  }
0x9b: {  	s22 =	simm.s32 $0x1BFF;
	s21 =	sshll.u32 s5, $0x1;
	s2 =	sadd.s32 s19, s18  }
0x9c: {  	s6 =	simm.s32 $0x0;
	s20 =	sshll.u32 s4, $0x1;
	s4 =	sadd.s32 s21, s2  }
0x9d: {  	[timem:s6], [sflag:s22] =	dma.local [hbm:s4], s20  }
0x9e: {  	_ =	swait.ge [sflag:s22], s20  }
0x9f: {  	s3 =	ssub.s32 $0x0, s20;
	[sflag:s22] =	ssyncset.done $0x0  }
0xa0: {  	[sflag:s22] =	ssyncadd.s32 s3;
	_ =	sdelay $0x1  }
0xa1: {  	s23 =	simm.s32 $0x1B8B  }
0xa2: {  	_ =	swait.ge [sflag:s23], $0x1  }
0xa3: {  	[sflag:s23] =	ssyncset.done $0x0  }
0xa4: {  	s25 =	simm.s32 $0x1B8E;
	s24 =	sld [smem:$0x3FFE];
	[sflag:s23] =	ssyncadd.s32 $0xFFFFFFFF  }
0xa5: {  	s26 =	simm.s32 $execute0_lowered;
	[smem:$0x3FD2] =	sst s25  }
0xa6: {  	s4 =	sshll.u32 s26, $0x1;
	_ =	strace $0x80000049;
	[dreg:$0x1] =	wrdreg $0xFFFFFFFF  }
0xa7: {  	s28 =	simm.s32 $_size_execute0_lowered;
	s2 =	sadd.s32 s2, s4;
	[dreg:$0x0] =	wrdreg $0x0  }
0xa8: {  	s4 =	sshll.u32 s28, $0x1;
	[dreg:$0x2] =	wrdreg s2  }
0xa9: {  	[dreg:$0x3] =	wrdreg s4  }
0xaa: {  	[dreg:$0x4] =	wrdreg $0xC0  }
0xab: {  	_ =	task [dreg:s6], $0x5FFFF  }
0xac: {  	[dreg:$0x1] =	wrdreg $0xFFFFFFFF  }
0xad: {  	[dreg:$0x0] =	wrdreg $0x60  }
0xae: {  	[dreg:$0x2] =	wrdreg s24  }
0xaf: {  	[dreg:$0x3] =	wrdreg $0x150000  }
0xb0: {  	[dreg:$0x4] =	wrdreg $0x9  }
0xb1: {  	_ =	task.clear_ibuf [dreg:s6], $0x5FFFF;
	_ =	strace $0x90000049  }
0xb2: {  	s29 =	simm.s32 $0x9;
	_ =	strace $0x8000004B  }
0xb3: {  	_ =	swait.ge [sflag:s29], $0x1  }
0xb4: {  	[sflag:s29] =	ssyncadd.s32 $0xFFFFFFFF  }
0xb5: {  	_ =	strace $0x9000004B  }
0xb6: {  	_ =	sfence  }
0xb7: {  	s30 =	sld [smem:$0x0];
	_ =	sdelay $0x2  }
0xb8: {  	s31 =	sshll.u32 s1, $0xD;
	s1 =	sshrl.u32 s1, $0x2  }
0xb9: {  	s3 =	sand.u32 $0x4000, s31;
	s1 =	sadd.s32 s1, s30  }
0xba: {  	s0 =	sor.u32 s3, s0;
	s1 =	sshll.u32 s1, $0x11  }
0xbb: {  	s0 =	sor.u32 s1, s0  }
0xbc: {  	s0 =	sadd.s32 $0x8F2B, s0  }
0xbd: {  	[sflag:s0] =	ssyncadd.remote.s32 $0x1  }
0xbe: {  	_ =	sfence.sel $0xFFFF  }
0xbf: {  	[dreg:$0x0] =	wrdreg $0xFFFFFFFF;
	(pc) =	sbr.abs _section_cstart, $3  }
0xc0: {  	[dreg:$0x1] =	wrdreg $0xFFFFFFFF  }
0xc1: {  	_ =	task.clear_ibuf [dreg:s6], $0x2FFFF;
	_ =	strace $0x9FFFFFFF  }
0xc2: {  	(tm) =	ssettm $0x7FFFFFFF  }
0xc3: {  	_ =	shalt  }
tec
execute0_lowered:
.L_overlay_start_1:
0x0: {  	(tag) =	ssettag $0x1  }
0x1: {  	s5 =	rddreg [dreg:$0x0]  }
0x2: {  	s0 =	stileid.u32;
	s1 =	srdreg.scid  }
0x3: {  	s2 =	rddreg [dreg:$0x1];
	s3 =	simm.s32 $0x0;
	s15 =	simm.s32 $0x10000  }
0x4: {  	s16 =	simm.s32 $0x1;
	s17 =	simm.s32 $0x80;
	s18 =	simm.s32 $0x12800  }
0x5: {  	s19 =	simm.s32 $0x2;
	s20 =	simm.s32 $0x8080;
	s6 =	smul.u32 $0x1480, s0  }
0x6: {  	s7 =	sand.u32 $0x1, s1;
	s1 =	rddreg [dreg:$0x2];
	s10 =	smul.u32 $0xA000, s0  }
0x7: {  	s21 =	simm.s32 $0x3;
	[smem:$0x7FF] =	sst s3;
	s12 =	smul.u32 $0x29000, s0  }
0x8: {  	s9 =	sshll.u32 s0, $0xC;
	s4 =	sadd.s32 $0x37000, s5;
	s29 =	smul.u32 $0x28000, s0  }
0x9: {  	s31 =	sshll.u32 s0, $0x6;
	s8 =	smul.u32 $0xA0000, s7;
	_ =	strace $0x8000004A  }
0xa: {  	s9 =	sadd.s32 s9, s5;
	s23 =	ssub.s32 $0x2, s7;
	s25 =	sshll.u32 s7, $0x10  }
0xb: {  	s11 =	sadd.s32 s6, s5;
	s24 =	sshrl.u32 s23, $0x1;
	s26 =	sadd.s32 s25, s9  }
0xc: {  	s28 =	sshrl.u32 s12, $0x2;
	s30 =	sshrl.u32 s29, $0x2;
	s12 =	sor.u32 $0x1C05, s31  }
0xd: {  	s22 =	sadd.s32 s10, s8;
	s10 =	ssub.s32 s23, s24;
	s14 =	sadd.s32 s28, s2  }
0xe: {  	s7 =	sadd.s32 $0x22800, s11;
	s23 =	sadd.s32 s30, s2;
	s11 =	simm.s32 $0x8000  }
0xf: {  	s24 =	simm.s32 $0x0;
	s6 =	sshrl.u32 s22, $0x3;
	s22 =	simm.s32 $0x4  }
0x10: {  	s23 =	sshrl.u32 s23, $0x3;
	s13 =	sadd.s32 s6, s5;
	s5 =	sadd.s32 $0x87600, s9  }
0x11: {  	s6 =	sadd.s32 $0x2800, s26;
	s9 =	smax.u32 s10, $0x1;
	s10 =	simm.s32 $0x5  }
0x12: {  	s8 =	sadd.s32 $0x5F000, s13;
	s13 =	sshrl.u32 s14, $0x3;
	s14 =	simm.s32 $0x50  }
.LBB2_1:
0x13: {  	[tilespmem:s3], [sflag:$0x5] =	stream.linear.gather [hbm4b:s5+s3], $0x7D00, $0x38;
	[tilespmem:$0x1F400] =	vst v63  }
0x14: {  	_ =	swait.ge [sflag:s10], $0x7D00  }
0x15: {  	[sflag:s10] =	ssyncset.done $0x0  }
0x16: {  	[sflag:s10] =	ssyncadd.s32 $0xFFFF8300  }
0x17: {  	[tilespmem:s11], [sflag:$0x5] =	stream.linear.gather [hbm4b:s6+s3], $0x7D00, $0x38;
	[tilespmem:$0x1F400] =	vst v63  }
0x18: {  	_ =	swait.ge [sflag:s10], $0x7D00  }
0x19: {  	[sflag:s10] =	ssyncset.done $0x0  }
0x1a: {  	[sflag:s10] =	ssyncadd.s32 $0xFFFF8300  }
0x1b: {  	[spmem:s13], [sflag:s12] =	dma.local [hbm:s7], $0x1480  }
0x1c: {  	_ =	swait.ge [sflag:s10], $0x1480  }
0x1d: {  	[sflag:s10] =	ssyncset.done $0x0  }
0x1e: {  	[sflag:s10] =	ssyncadd.s32 $0xFFFFEB80  }
0x1f: {  	[bflag:$0x0] =	sbarrier.arrive $0xFFFF  }
0x20: {  	[tilespmem:s15], [sflag:$0x1] =	stream.indirect.gather [hbm4b:s4+s14], $0x80, s3, s14, $0xb8;
	[tilespmem:$0x1F400] =	vst v63  }
0x21: {  	_ =	swait.ge [sflag:s16], $0x2800  }
0x22: {  	[sflag:s16] =	ssyncset.done $0x0  }
0x23: {  	[sflag:s16] =	ssyncadd.s32 $0xFFFFD800  }
0x24: {  	[spmem:s2] =	stream.indirect.scatter.add.f32 [tilespmem:s15], [sflag:$0x3], $0x80, s11, s14, $0xb8;
	[tilespmem:$0x1F400] =	vst v63  }
0x25: {  	_ = 	snop  }
0x26: {  	[tilespmem:s18], [sflag:$0x2] =	stream.indirect.gather [hbm4b:s4+s14], $0x80, s17, s14, $0xb8;
	[tilespmem:$0x1F400] =	vst v63  }
0x27: {  	_ =	swait.ge [sflag:s19], $0x2800  }
0x28: {  	[sflag:s19] =	ssyncset.done $0x0  }
0x29: {  	[sflag:s19] =	ssyncadd.s32 $0xFFFFD800  }
0x2a: {  	[spmem:s2] =	stream.indirect.scatter.add.f32 [tilespmem:s18], [sflag:$0x4], $0x80, s20, s14, $0xb8;
	[tilespmem:$0x1F400] =	vst v63  }
0x2b: {  	_ =	swait.ge [sflag:s21], $0x2800  }
0x2c: {  	[sflag:s21] =	ssyncset.done $0x0  }
0x2d: {  	s25 =	simm.s32 $0x100;
	[sflag:s21] =	ssyncadd.s32 $0xFFFFD800  }
0x2e: {  	[tilespmem:s15], [sflag:$0x1] =	stream.indirect.gather [hbm4b:s4+s14], $0x80, s25, s14, $0xb8;
	[tilespmem:$0x1F400] =	vst v63  }
0x2f: {  	_ =	swait.ge [sflag:s16], $0x2800  }
0x30: {  	[sflag:s16] =	ssyncset.done $0x0  }
0x31: {  	s30 =	simm.s32 $0x8100;
	[sflag:s16] =	ssyncadd.s32 $0xFFFFD800  }
0x32: {  	[spmem:s2] =	stream.indirect.scatter.add.f32 [tilespmem:s15], [sflag:$0x3], $0x80, s30, s14, $0xb8;
	[tilespmem:$0x1F400] =	vst v63  }
0x33: {  	_ =	swait.ge [sflag:s22], $0x2800  }
0x34: {  	[sflag:s22] =	ssyncset.done $0x0  }
0x35: {  	s31 =	simm.s32 $0x180;
	[sflag:s22] =	ssyncadd.s32 $0xFFFFD800  }
0x36: {  	[tilespmem:s18], [sflag:$0x2] =	stream.indirect.gather [hbm4b:s4+s14], $0x80, s31, s14, $0xb8;
	[tilespmem:$0x1F400] =	vst v63  }
0x37: {  	_ =	swait.ge [sflag:s19], $0x2800  }
0x38: {  	[sflag:s19] =	ssyncset.done $0x0  }
0x39: {  	s26 =	simm.s32 $0x8180;
	s25 =	simm.s32 $0xFFFE1400;
	[sflag:s19] =	ssyncadd.s32 $0xFFFFD800  }
.LBB2_2:
0x3a: {  	[spmem:s2] =	stream.indirect.scatter.add.f32 [tilespmem:s18], [sflag:$0x4], $0x80, s26, s14, $0xb8;
	[tilespmem:$0x1F400] =	vst v63  }
0x3b: {  	s26 =	smov.u32 s25  }
0x3c: {  	p0 =	sne.s32 s25, $0xFFFFFC00;
	s25 =	sadd.s32 $0x400, s25;
	_ =	swait.ge [sflag:s21], $0x2800  }
0x3d: {  	s26 =	sshra.s32 s26, $0x2;
	[sflag:s21] =	ssyncset.done $0x0  }
0x3e: {  	s28 =	sadd.s32 $0x7D00, s26;
	[sflag:s21] =	ssyncadd.s32 $0xFFFFD800  }
0x3f: {  	[tilespmem:s15], [sflag:$0x1] =	stream.indirect.gather [hbm4b:s4+s14], $0x80, s28, s14, $0xb8;
	[tilespmem:$0x1F400] =	vst v63  }
0x40: {  	_ =	swait.ge [sflag:s16], $0x2800  }
0x41: {  	[sflag:s16] =	ssyncset.done $0x0  }
0x42: {  	s28 =	sadd.s32 $0xFD00, s26;
	[sflag:s16] =	ssyncadd.s32 $0xFFFFD800  }
0x43: {  	[spmem:s2] =	stream.indirect.scatter.add.f32 [tilespmem:s15], [sflag:$0x3], $0x80, s28, s14, $0xb8;
	[tilespmem:$0x1F400] =	vst v63  }
0x44: {  	_ =	swait.ge [sflag:s22], $0x2800  }
0x45: {  	[sflag:s22] =	ssyncset.done $0x0  }
.Ltmp0:
0x46: {  	s28 =	sadd.s32 $0x7D80, s26;
	[sflag:s22] =	ssyncadd.s32 $0xFFFFD800;
	(pc) =	sbr.rel @p0 .LBB2_2-.Ltmp0, $4  }
0x47: {  	[tilespmem:s18], [sflag:$0x2] =	stream.indirect.gather [hbm4b:s4+s14], $0x80, s28, s14, $0xb8;
	[tilespmem:$0x1F400] =	vst v63  }
0x48: {  	_ =	swait.ge [sflag:s19], $0x2800  }
0x49: {  	[sflag:s19] =	ssyncset.done $0x0  }
0x4a: {  	s26 =	sadd.s32 $0xFD80, s26;
	[sflag:s19] =	ssyncadd.s32 $0xFFFFD800  }
0x4b: {  	[spmem:s2] =	stream.indirect.scatter.add.f32 [tilespmem:s18], [sflag:$0x4], $0x80, s26, s14, $0xb8;
	[tilespmem:$0x1F400] =	vst v63  }
0x4c: {  	_ =	swait.ge [sflag:s21], $0x2800  }
0x4d: {  	[sflag:s21] =	ssyncset.done $0x0  }
0x4e: {  	[sflag:s21] =	ssyncadd.s32 $0xFFFFD800  }
0x4f: {  	_ =	swait.ge [sflag:s22], $0x2800  }
0x50: {  	s24 =	sadd.s32 $0x1, s24;
	[sflag:s22] =	ssyncset.done $0x0  }
0x51: {  	p0 =	sne.s32 s24, s9;
	[sflag:s22] =	ssyncadd.s32 $0xFFFFD800  }
.Ltmp1:
0x52: {  	[bflag:$0x0] =	sbarrier.arrive $0xFFFF;
	(pc) =	sbr.rel @p0 .LBB2_1-.Ltmp1, $4  }
0x53: {  	[hbm:s8], [sflag:s12] =	dma.local [spmem:s23], $0x1400  }
0x54: {  	_ =	swait.ge [sflag:s10], $0x1400  }
0x55: {  	[sflag:s10] =	ssyncset.done $0x0  }
0x56: {  	[sflag:s10] =	ssyncadd.s32 $0xFFFFEC00  }
0x57: {  	_ =	sfence.sel $0x180000  }
0x58: {  	[bflag:$0x0] =	sbarrier.arrive $0xFFFF  }
0x59: {  	p0 =	sne.s32 s0, $0x0;
	_ =	strace $0x9000004A  }
0x5a: {  	s0 =	sadd.s32 @!p0 $0x100000, s1;
	[bflag:$0x2] =	sbarrier.arrive $0xFFFF  }
0x5b: {  	[sflag:s0] =	ssyncadd.tile.s32 @!p0 $0x1;
	_ =	shalt  }
.Lfunc_end2:
_tile_overlayer_lowered:
.L_overlay_start_2:
0x5c: {  	(tag) =	ssettag $0x2  }
0x5d: {  	s0 =	rddreg [dreg:$0x0];
	s2 =	stileid.u32  }
0x5e: {  	s1 =	rddreg [dreg:$0x1];
	p0 =	sne.s32 s2, $0x0  }
0x5f: {  	s3 =	rddreg [dreg:$0x2];
	[bflag:$0x3] =	sbarrier.arrive $0xFFFF;
	s2 =	simm.s32 @!p0 $0x1C05  }
0x60: {  	[timem:s3], [sflag:s2] =	dma.local @!p0 [hbm:s0], s1  }
0x61: {  	s0 =	simm.s32 @!p0 $0x5  }
0x62: {  	_ =	swait.ge @!p0 [sflag:s0], s1  }
0x63: {  	s1 =	ssub.s32 @!p0 $0x0, s1;
	[sflag:s0] =	ssyncset.done @!p0 $0x0  }
0x64: {  	[sflag:s0] =	ssyncadd.s32 @!p0 s1  }
0x65: {  	[bflag:$0x3] =	sbarrier.arrive $0xFFFF  }
0x66: {  	_ =	shalt  }

// kernel: kernel.16.cloned.1.call-start
scs
__scs_entry_jumppad:
0x0: {  	(pc) =	sbr.rel $0x88, $3  }
0x1: {  	(tag) =	ssettag $0x0;
	lr =	simm.s32 $0x1  }
0x2: {  	[smem:$0x3F9B] =	sst lr;
	_ =	strace $0xD0000000  }
0x3: {  	_ = 	snop  }
0x4: {  	_ = 	snop  }
0x5: {  	_ = 	snop  }
0x6: {  	_ = 	snop  }
0x7: {  	_ = 	snop  }
__scs_overlays_trampoline_lowered:
0x8: {  	[smem:$0x3FAA] =	sst s0  }
0x9: {  	[smem:$0x3FAB] =	sst s1  }
0xa: {  	[smem:$0x3FAC] =	sst s2  }
0xb: {  	[smem:$0x3FAD] =	sst s3  }
0xc: {  	[smem:$0x3FAE] =	sst s4  }
0xd: {  	[smem:$0x3FAF] =	sst s5  }
0xe: {  	[smem:$0x3FB0] =	sst s6  }
0xf: {  	[smem:$0x3FB1] =	sst s7  }
0x10: {  	[smem:$0x3FB2] =	sst s8  }
0x11: {  	[smem:$0x3FB3] =	sst s9;
	s0 =	simm.s32 @!p0 $0x0  }
0x12: {  	s1 =	sld [smem:$0x3F99];
	s0 =	simm.s32 @p0 $0x1  }
0x13: {  	[smem:$0x3FB4] =	sst s0;
	s0 =	simm.s32 @!p1 $0x0  }
0x14: {  	s2 =	sld [smem:$0x3F98];
	s0 =	simm.s32 @p1 $0x1  }
0x15: {  	[smem:$0x3FB5] =	sst s0;
	s0 =	simm.s32 @!p2 $0x0  }
0x16: {  	s3 =	sld [smem:$0x3FDB];
	s0 =	simm.s32 @p2 $0x1  }
0x17: {  	s4 =	simm.s32 $0x1BF5;
	[smem:$0x3FB7] =	sst s0  }
0x18: {  	s0 =	sld [smem:$0x3F9A];
	_ =	swait.ge [sflag:s4], $0x0  }
0x19: {  	s7 =	sld [smem:$0x3F9B]  }
0x1a: {  	s8 =	sadd.s32 $0xFFFFE003, lr  }
0x1b: {  	s9 =	sadd.s32 $0xFFFFFEF7, lr;
	s5 =	simm.s32 $0xFFFFFFFF;
	p2 =	slt.u32 s8, $0xFFFFF086  }
0x1c: {  	p1 =	slt.u32 s9, $0xF7A;
	s5 =	simm.s32 @!p2 $0x0  }
0x1d: {  	s5 =	simm.s32 @p1 $0x1;
	p0 =	seq.s32 s7, s2  }
0x1e: {  	s7 =	smul.u32 @!p0 $0xF7A, s2;
	p2 =	seq.s32 @!p0 s5, $0x0  }
0x1f: {  	s9 =	smul.u32 $0xF7A, s1;
	s8 =	simm.s32 @!p0 $0x1BF5;
	p2 =	por !p2, p0  }
0x20: {  	[sflag:s8] =	ssyncset.s32 @!p0 $0xFFFFF086;
	s6 =	sadd.s32 @!p0 s3, s7;
	s7 =	simm.s32 @!p0 $0x108  }
0x21: {  	s3 =	sadd.s32 s3, s9;
	s6 =	sadd.s32 @!p0 $0x88, s6;
	s7 =	simm.s32 @p2 $0x1082  }
0x22: {  	[simem:s7], [sflag:s8] =	dma.local @!p0 [hbm:s6], $0xF7A  }
0x23: {  	s9 =	sor.u32 $0xD0000000, s2;
	s6 =	simm.s32 $0x108;
	_ =	swait.ge @!p0 [sflag:s8], $0x0  }
0x24: {  	s3 =	sadd.s32 $0x88, s3;
	s6 =	simm.s32 @!p1 $0x1082;
	[sflag:s4] =	ssyncset.s32 $0xFFFFF086  }
0x25: {  	[simem:s6], [sflag:s4] =	dma.local [hbm:s3], $0xF7A  }
0x26: {  	[smem:$0x3F9B] =	sst s1;
	(tag) =	ssettag s2;
	_ =	strace s9  }
0x27: {  	s1 =	sld [smem:$0x3FAB]  }
0x28: {  	s2 =	sld [smem:$0x3FAC]  }
0x29: {  	s4 =	sld [smem:$0x3FAE]  }
0x2a: {  	p0 =	seq.s32 s5, $0x0;
	s5 =	sld [smem:$0x3FAF]  }
0x2b: {  	s6 =	sld [smem:$0x3FB0]  }
0x2c: {  	s7 =	sld [smem:$0x3FB1]  }
0x2d: {  	s3 =	simm.s32 $0x108;
	s8 =	sld [smem:$0x3FB2]  }
0x2e: {  	s3 =	simm.s32 @!p0 $0x1082;
	s9 =	sld [smem:$0x3FB3]  }
0x2f: {  	lr =	sadd.s32 s0, s3;
	s0 =	sld [smem:$0x3FAA]  }
0x30: {  	s3 =	sld [smem:$0x3FAD]  }
0x31: {  	[smem:$0x3FB6] =	sst s10  }
0x32: {  	s10 =	sld [smem:$0x3FB4];
	_ =	sdelay $0x3  }
0x33: {  	p0 =	seq.s32 s10, $0x1;
	s10 =	sld [smem:$0x3FB6];
	_ =	sdelay $0x3  }
0x34: {  	[smem:$0x3FB6] =	sst s10  }
0x35: {  	s10 =	sld [smem:$0x3FB5];
	_ =	sdelay $0x3  }
0x36: {  	p1 =	seq.s32 s10, $0x1;
	s10 =	sld [smem:$0x3FB6];
	_ =	sdelay $0x3  }
0x37: {  	[smem:$0x3FB6] =	sst s10  }
0x38: {  	s10 =	sld [smem:$0x3FB7]  }
0x39: {  	_ = 	snop;
	(pc) =	sbr.ind lr, $3  }
0x3a: {  	_ = 	snop  }
0x3b: {  	_ = 	snop  }
0x3c: {  	p2 =	seq.s32 s10, $0x1;
	s10 =	sld [smem:$0x3FB6]  }
0x3d: {  	_ =	shalt  }
0x3e: {  	_ =	shalt  }
0x3f: {  	_ =	shalt  }
0x40: {  	_ =	shalt  }
0x41: {  	_ =	shalt  }
0x42: {  	_ =	shalt  }
0x43: {  	_ =	shalt  }
0x44: {  	_ =	shalt  }
0x45: {  	_ =	shalt  }
0x46: {  	_ =	shalt  }
0x47: {  	_ =	shalt  }
0x48: {  	_ =	shalt  }
0x49: {  	_ =	shalt  }
0x4a: {  	_ =	shalt  }
0x4b: {  	_ =	shalt  }
0x4c: {  	_ =	shalt  }
0x4d: {  	_ =	shalt  }
0x4e: {  	_ =	shalt  }
0x4f: {  	_ =	shalt  }
0x50: {  	_ =	shalt  }
0x51: {  	_ =	shalt  }
0x52: {  	_ =	shalt  }
0x53: {  	_ =	shalt  }
0x54: {  	_ =	shalt  }
0x55: {  	_ =	shalt  }
0x56: {  	_ =	shalt  }
0x57: {  	_ =	shalt  }
0x58: {  	_ =	shalt  }
0x59: {  	_ =	shalt  }
0x5a: {  	_ =	shalt  }
0x5b: {  	_ =	shalt  }
0x5c: {  	_ =	shalt  }
0x5d: {  	_ =	shalt  }
0x5e: {  	_ =	shalt  }
0x5f: {  	_ =	shalt  }
0x60: {  	_ =	shalt  }
0x61: {  	_ =	shalt  }
0x62: {  	_ =	shalt  }
0x63: {  	_ =	shalt  }
0x64: {  	_ =	shalt  }
0x65: {  	_ =	shalt  }
0x66: {  	_ =	shalt  }
0x67: {  	_ =	shalt  }
0x68: {  	_ =	shalt  }
0x69: {  	_ =	shalt  }
0x6a: {  	_ =	shalt  }
0x6b: {  	_ =	shalt  }
0x6c: {  	_ =	shalt  }
0x6d: {  	_ =	shalt  }
0x6e: {  	_ =	shalt  }
0x6f: {  	_ =	shalt  }
0x70: {  	_ =	shalt  }
0x71: {  	_ =	shalt  }
0x72: {  	_ =	shalt  }
0x73: {  	_ =	shalt  }
0x74: {  	_ =	shalt  }
0x75: {  	_ =	shalt  }
0x76: {  	_ =	shalt  }
0x77: {  	_ =	shalt  }
0x78: {  	_ =	shalt  }
0x79: {  	_ =	shalt  }
0x7a: {  	_ =	shalt  }
0x7b: {  	_ =	shalt  }
0x7c: {  	_ =	shalt  }
0x7d: {  	_ =	shalt  }
0x7e: {  	_ =	shalt  }
0x7f: {  	_ =	shalt  }
0x80: {  	_ =	shalt  }
0x81: {  	_ =	shalt  }
0x82: {  	_ =	shalt  }
0x83: {  	_ =	shalt  }
0x84: {  	_ =	shalt  }
0x85: {  	_ =	shalt  }
0x86: {  	_ =	shalt  }
0x87: {  	_ =	shalt  }
.Lfunc_end0:
.L_simem_size_0:
called_computation.2_lowered:
.L_overlay_start_0:
0x88: {  	s2 =	sld [smem:$0x3FD9]  }
0x89: {  	s3 =	sld [smem:$0x3FFE];
	_ =	sdelay $0x1  }
0x8a: {  	s1 =	srdreg.scid  }
0x8b: {  	s0 =	sand.u32 $0x1, s1  }
0x8c: {  	s16 =	sshll.u32 s0, $0xA;
	s2 =	sadd.s32 s3, s2  }
0x8d: {  	s2 =	sadd.s32 s2, s16  }
0x8e: {  	[smem:$0x3FC2] =	sst s2  }
0x8f: {  	_ = 	snop  }
0x90: {  	(tm) =	ssettm $0x1  }
0x91: {  	s17 =	sld [smem:$0x3FFB];
	_ =	sdelay $0x3  }
0x92: {  	_ =	strace s17  }
0x93: {  	s2 =	sld [smem:$0x3FFC];
	_ =	sdelay $0x3  }
0x94: {  	_ =	strace s2  }
0x95: {  	s2 =	sld [smem:$0x3FFD];
	_ =	sdelay $0x3  }
0x96: {  	_ =	strace s2  }
0x97: {  	_ =	strace $0x8FFFFFFF  }
0x98: {  	s18 =	sld [smem:$0x3FDB];
	_ =	sdelay $0x1  }
0x99: {  	s19 =	simm.s32 $_scs_section_size  }
0x9a: {  	s4 =	simm.s32 $_size__tile_overlayer_lowered;
	s5 =	simm.s32 $_tile_overlayer_lowered  }
0x9b: {  	s22 =	simm.s32 $0x1BFF;
	s21 =	sshll.u32 s5, $0x1;
	s2 =	sadd.s32 s19, s18  }
0x9c: {  	s6 =	simm.s32 $0x0;
	s20 =	sshll.u32 s4, $0x1;
	s4 =	sadd.s32 s21, s2  }
0x9d: {  	[timem:s6], [sflag:s22] =	dma.local [hbm:s4], s20  }
0x9e: {  	_ =	swait.ge [sflag:s22], s20  }
0x9f: {  	s3 =	ssub.s32 $0x0, s20;
	[sflag:s22] =	ssyncset.done $0x0  }
0xa0: {  	[sflag:s22] =	ssyncadd.s32 s3;
	_ =	sdelay $0x1  }
0xa1: {  	s23 =	simm.s32 $0x1B8B  }
0xa2: {  	_ =	swait.ge [sflag:s23], $0x1  }
0xa3: {  	[sflag:s23] =	ssyncset.done $0x0  }
0xa4: {  	s25 =	simm.s32 $0x1B8E;
	s24 =	sld [smem:$0x3FFE];
	[sflag:s23] =	ssyncadd.s32 $0xFFFFFFFF  }
0xa5: {  	s26 =	simm.s32 $execute0_lowered;
	[smem:$0x3FD2] =	sst s25  }
0xa6: {  	s4 =	sshll.u32 s26, $0x1;
	_ =	strace $0x8000004C;
	[dreg:$0x1] =	wrdreg $0xFFFFFFFF  }
0xa7: {  	s28 =	simm.s32 $_size_execute0_lowered;
	s2 =	sadd.s32 s2, s4;
	[dreg:$0x0] =	wrdreg $0x0  }
0xa8: {  	s4 =	sshll.u32 s28, $0x1;
	[dreg:$0x2] =	wrdreg s2  }
0xa9: {  	[dreg:$0x3] =	wrdreg s4  }
0xaa: {  	[dreg:$0x4] =	wrdreg $0xC0  }
0xab: {  	_ =	task [dreg:s6], $0x5FFFF  }
0xac: {  	[dreg:$0x1] =	wrdreg $0xFFFFFFFF  }
0xad: {  	[dreg:$0x0] =	wrdreg $0x60  }
0xae: {  	[dreg:$0x2] =	wrdreg s24  }
0xaf: {  	[dreg:$0x3] =	wrdreg $0x150000  }
0xb0: {  	[dreg:$0x4] =	wrdreg $0x9  }
0xb1: {  	_ =	task.clear_ibuf [dreg:s6], $0x5FFFF;
	_ =	strace $0x9000004C  }
0xb2: {  	s29 =	simm.s32 $0x9;
	_ =	strace $0x8000004E  }
0xb3: {  	_ =	swait.ge [sflag:s29], $0x1  }
0xb4: {  	[sflag:s29] =	ssyncadd.s32 $0xFFFFFFFF  }
0xb5: {  	_ =	strace $0x9000004E  }
0xb6: {  	_ =	sfence  }
0xb7: {  	s30 =	sld [smem:$0x0];
	_ =	sdelay $0x2  }
0xb8: {  	s31 =	sshll.u32 s1, $0xD;
	s1 =	sshrl.u32 s1, $0x2  }
0xb9: {  	s3 =	sand.u32 $0x4000, s31;
	s1 =	sadd.s32 s1, s30  }
0xba: {  	s0 =	sor.u32 s3, s0;
	s1 =	sshll.u32 s1, $0x11  }
0xbb: {  	s0 =	sor.u32 s1, s0  }
0xbc: {  	s0 =	sadd.s32 $0x8F2B, s0  }
0xbd: {  	[sflag:s0] =	ssyncadd.remote.s32 $0x1  }
0xbe: {  	_ =	sfence.sel $0xFFFF  }
0xbf: {  	[dreg:$0x0] =	wrdreg $0xFFFFFFFF;
	(pc) =	sbr.abs _section_cstart, $3  }
0xc0: {  	[dreg:$0x1] =	wrdreg $0xFFFFFFFF  }
0xc1: {  	_ =	task.clear_ibuf [dreg:s6], $0x2FFFF;
	_ =	strace $0x9FFFFFFF  }
0xc2: {  	(tm) =	ssettm $0x7FFFFFFF  }
0xc3: {  	_ =	shalt  }
tec
execute0_lowered:
.L_overlay_start_1:
0x0: {  	(tag) =	ssettag $0x1  }
0x1: {  	s5 =	rddreg [dreg:$0x0]  }
0x2: {  	s0 =	stileid.u32;
	s1 =	srdreg.scid  }
0x3: {  	s2 =	rddreg [dreg:$0x1];
	s3 =	simm.s32 $0x0;
	s15 =	simm.s32 $0x10000  }
0x4: {  	s16 =	simm.s32 $0x1;
	s17 =	simm.s32 $0x80;
	s18 =	simm.s32 $0x12800  }
0x5: {  	s19 =	simm.s32 $0x2;
	s20 =	simm.s32 $0x8080;
	s6 =	smul.u32 $0x1480, s0  }
0x6: {  	s7 =	sand.u32 $0x1, s1;
	s1 =	rddreg [dreg:$0x2];
	s10 =	smul.u32 $0xA000, s0  }
0x7: {  	s21 =	simm.s32 $0x3;
	[smem:$0x7FF] =	sst s3;
	s12 =	smul.u32 $0x29000, s0  }
0x8: {  	s9 =	sshll.u32 s0, $0xC;
	s4 =	sadd.s32 $0x37000, s5;
	s29 =	smul.u32 $0x28000, s0  }
0x9: {  	s31 =	sshll.u32 s0, $0x6;
	s8 =	smul.u32 $0xA0000, s7;
	_ =	strace $0x8000004D  }
0xa: {  	s9 =	sadd.s32 s9, s5;
	s23 =	ssub.s32 $0x2, s7;
	s25 =	sshll.u32 s7, $0x10  }
0xb: {  	s11 =	sadd.s32 s6, s5;
	s24 =	sshrl.u32 s23, $0x1;
	s26 =	sadd.s32 s25, s9  }
0xc: {  	s28 =	sshrl.u32 s12, $0x2;
	s30 =	sshrl.u32 s29, $0x2;
	s12 =	sor.u32 $0x1C05, s31  }
0xd: {  	s22 =	sadd.s32 s10, s8;
	s10 =	ssub.s32 s23, s24;
	s14 =	sadd.s32 s28, s2  }
0xe: {  	s7 =	sadd.s32 $0x22800, s11;
	s23 =	sadd.s32 s30, s2;
	s11 =	simm.s32 $0x8000  }
0xf: {  	s24 =	simm.s32 $0x0;
	s6 =	sshrl.u32 s22, $0x3;
	s22 =	simm.s32 $0x4  }
0x10: {  	s23 =	sshrl.u32 s23, $0x3;
	s13 =	sadd.s32 s6, s5;
	s5 =	sadd.s32 $0x87600, s9  }
0x11: {  	s6 =	sadd.s32 $0x2800, s26;
	s9 =	smax.u32 s10, $0x1;
	s10 =	simm.s32 $0x5  }
0x12: {  	s8 =	sadd.s32 $0x5F000, s13;
	s13 =	sshrl.u32 s14, $0x3;
	s14 =	simm.s32 $0x50  }
.LBB2_1:
0x13: {  	[tilespmem:s3], [sflag:$0x5] =	stream.linear.gather [hbm4b:s5+s3], $0x7D00, $0x38;
	[tilespmem:$0x1F400] =	vst v63  }
0x14: {  	_ =	swait.ge [sflag:s10], $0x7D00  }
0x15: {  	[sflag:s10] =	ssyncset.done $0x0  }
0x16: {  	[sflag:s10] =	ssyncadd.s32 $0xFFFF8300  }
0x17: {  	[tilespmem:s11], [sflag:$0x5] =	stream.linear.gather [hbm4b:s6+s3], $0x7D00, $0x38;
	[tilespmem:$0x1F400] =	vst v63  }
0x18: {  	_ =	swait.ge [sflag:s10], $0x7D00  }
0x19: {  	[sflag:s10] =	ssyncset.done $0x0  }
0x1a: {  	[sflag:s10] =	ssyncadd.s32 $0xFFFF8300  }
0x1b: {  	[spmem:s13], [sflag:s12] =	dma.local [hbm:s7], $0x1480  }
0x1c: {  	_ =	swait.ge [sflag:s10], $0x1480  }
0x1d: {  	[sflag:s10] =	ssyncset.done $0x0  }
0x1e: {  	[sflag:s10] =	ssyncadd.s32 $0xFFFFEB80  }
0x1f: {  	[bflag:$0x0] =	sbarrier.arrive $0xFFFF  }
0x20: {  	[tilespmem:s15], [sflag:$0x1] =	stream.indirect.gather [hbm4b:s4+s14], $0x80, s3, s14, $0xb8;
	[tilespmem:$0x1F400] =	vst v63  }
0x21: {  	_ =	swait.ge [sflag:s16], $0x2800  }
0x22: {  	[sflag:s16] =	ssyncset.done $0x0  }
0x23: {  	[sflag:s16] =	ssyncadd.s32 $0xFFFFD800  }
0x24: {  	[spmem:s2] =	stream.indirect.scatter.add.f32 [tilespmem:s15], [sflag:$0x3], $0x80, s11, s14, $0xb8;
	[tilespmem:$0x1F400] =	vst v63  }
0x25: {  	_ = 	snop  }
0x26: {  	[tilespmem:s18], [sflag:$0x2] =	stream.indirect.gather [hbm4b:s4+s14], $0x80, s17, s14, $0xb8;
	[tilespmem:$0x1F400] =	vst v63  }
0x27: {  	_ =	swait.ge [sflag:s19], $0x2800  }
0x28: {  	[sflag:s19] =	ssyncset.done $0x0  }
0x29: {  	[sflag:s19] =	ssyncadd.s32 $0xFFFFD800  }
0x2a: {  	[spmem:s2] =	stream.indirect.scatter.add.f32 [tilespmem:s18], [sflag:$0x4], $0x80, s20, s14, $0xb8;
	[tilespmem:$0x1F400] =	vst v63  }
0x2b: {  	_ =	swait.ge [sflag:s21], $0x2800  }
0x2c: {  	[sflag:s21] =	ssyncset.done $0x0  }
0x2d: {  	s25 =	simm.s32 $0x100;
	[sflag:s21] =	ssyncadd.s32 $0xFFFFD800  }
0x2e: {  	[tilespmem:s15], [sflag:$0x1] =	stream.indirect.gather [hbm4b:s4+s14], $0x80, s25, s14, $0xb8;
	[tilespmem:$0x1F400] =	vst v63  }
0x2f: {  	_ =	swait.ge [sflag:s16], $0x2800  }
0x30: {  	[sflag:s16] =	ssyncset.done $0x0  }
0x31: {  	s30 =	simm.s32 $0x8100;
	[sflag:s16] =	ssyncadd.s32 $0xFFFFD800  }
0x32: {  	[spmem:s2] =	stream.indirect.scatter.add.f32 [tilespmem:s15], [sflag:$0x3], $0x80, s30, s14, $0xb8;
	[tilespmem:$0x1F400] =	vst v63  }
0x33: {  	_ =	swait.ge [sflag:s22], $0x2800  }
0x34: {  	[sflag:s22] =	ssyncset.done $0x0  }
0x35: {  	s31 =	simm.s32 $0x180;
	[sflag:s22] =	ssyncadd.s32 $0xFFFFD800  }
0x36: {  	[tilespmem:s18], [sflag:$0x2] =	stream.indirect.gather [hbm4b:s4+s14], $0x80, s31, s14, $0xb8;
	[tilespmem:$0x1F400] =	vst v63  }
0x37: {  	_ =	swait.ge [sflag:s19], $0x2800  }
0x38: {  	[sflag:s19] =	ssyncset.done $0x0  }
0x39: {  	s26 =	simm.s32 $0x8180;
	s25 =	simm.s32 $0xFFFE1400;
	[sflag:s19] =	ssyncadd.s32 $0xFFFFD800  }
.LBB2_2:
0x3a: {  	[spmem:s2] =	stream.indirect.scatter.add.f32 [tilespmem:s18], [sflag:$0x4], $0x80, s26, s14, $0xb8;
	[tilespmem:$0x1F400] =	vst v63  }
0x3b: {  	s26 =	smov.u32 s25  }
0x3c: {  	p0 =	sne.s32 s25, $0xFFFFFC00;
	s25 =	sadd.s32 $0x400, s25;
	_ =	swait.ge [sflag:s21], $0x2800  }
0x3d: {  	s26 =	sshra.s32 s26, $0x2;
	[sflag:s21] =	ssyncset.done $0x0  }
0x3e: {  	s28 =	sadd.s32 $0x7D00, s26;
	[sflag:s21] =	ssyncadd.s32 $0xFFFFD800  }
0x3f: {  	[tilespmem:s15], [sflag:$0x1] =	stream.indirect.gather [hbm4b:s4+s14], $0x80, s28, s14, $0xb8;
	[tilespmem:$0x1F400] =	vst v63  }
0x40: {  	_ =	swait.ge [sflag:s16], $0x2800  }
0x41: {  	[sflag:s16] =	ssyncset.done $0x0  }
0x42: {  	s28 =	sadd.s32 $0xFD00, s26;
	[sflag:s16] =	ssyncadd.s32 $0xFFFFD800  }
0x43: {  	[spmem:s2] =	stream.indirect.scatter.add.f32 [tilespmem:s15], [sflag:$0x3], $0x80, s28, s14, $0xb8;
	[tilespmem:$0x1F400] =	vst v63  }
0x44: {  	_ =	swait.ge [sflag:s22], $0x2800  }
0x45: {  	[sflag:s22] =	ssyncset.done $0x0  }
.Ltmp0:
0x46: {  	s28 =	sadd.s32 $0x7D80, s26;
	[sflag:s22] =	ssyncadd.s32 $0xFFFFD800;
	(pc) =	sbr.rel @p0 .LBB2_2-.Ltmp0, $4  }
0x47: {  	[tilespmem:s18], [sflag:$0x2] =	stream.indirect.gather [hbm4b:s4+s14], $0x80, s28, s14, $0xb8;
	[tilespmem:$0x1F400] =	vst v63  }
0x48: {  	_ =	swait.ge [sflag:s19], $0x2800  }
0x49: {  	[sflag:s19] =	ssyncset.done $0x0  }
0x4a: {  	s26 =	sadd.s32 $0xFD80, s26;
	[sflag:s19] =	ssyncadd.s32 $0xFFFFD800  }
0x4b: {  	[spmem:s2] =	stream.indirect.scatter.add.f32 [tilespmem:s18], [sflag:$0x4], $0x80, s26, s14, $0xb8;
	[tilespmem:$0x1F400] =	vst v63  }
0x4c: {  	_ =	swait.ge [sflag:s21], $0x2800  }
0x4d: {  	[sflag:s21] =	ssyncset.done $0x0  }
0x4e: {  	[sflag:s21] =	ssyncadd.s32 $0xFFFFD800  }
0x4f: {  	_ =	swait.ge [sflag:s22], $0x2800  }
0x50: {  	s24 =	sadd.s32 $0x1, s24;
	[sflag:s22] =	ssyncset.done $0x0  }
0x51: {  	p0 =	sne.s32 s24, s9;
	[sflag:s22] =	ssyncadd.s32 $0xFFFFD800  }
.Ltmp1:
0x52: {  	[bflag:$0x0] =	sbarrier.arrive $0xFFFF;
	(pc) =	sbr.rel @p0 .LBB2_1-.Ltmp1, $4  }
0x53: {  	[hbm:s8], [sflag:s12] =	dma.local [spmem:s23], $0x1400  }
0x54: {  	_ =	swait.ge [sflag:s10], $0x1400  }
0x55: {  	[sflag:s10] =	ssyncset.done $0x0  }
0x56: {  	[sflag:s10] =	ssyncadd.s32 $0xFFFFEC00  }
0x57: {  	_ =	sfence.sel $0x180000  }
0x58: {  	[bflag:$0x0] =	sbarrier.arrive $0xFFFF  }
0x59: {  	p0 =	sne.s32 s0, $0x0;
	_ =	strace $0x9000004D  }
0x5a: {  	s0 =	sadd.s32 @!p0 $0x100000, s1;
	[bflag:$0x2] =	sbarrier.arrive $0xFFFF  }
0x5b: {  	[sflag:s0] =	ssyncadd.tile.s32 @!p0 $0x1;
	_ =	shalt  }
.Lfunc_end2:
_tile_overlayer_lowered:
.L_overlay_start_2:
0x5c: {  	(tag) =	ssettag $0x2  }
0x5d: {  	s0 =	rddreg [dreg:$0x0];
	s2 =	stileid.u32  }
0x5e: {  	s1 =	rddreg [dreg:$0x1];
	p0 =	sne.s32 s2, $0x0  }
0x5f: {  	s3 =	rddreg [dreg:$0x2];
	[bflag:$0x3] =	sbarrier.arrive $0xFFFF;
	s2 =	simm.s32 @!p0 $0x1C05  }
0x60: {  	[timem:s3], [sflag:s2] =	dma.local @!p0 [hbm:s0], s1  }
0x61: {  	s0 =	simm.s32 @!p0 $0x5  }
0x62: {  	_ =	swait.ge @!p0 [sflag:s0], s1  }
0x63: {  	s1 =	ssub.s32 @!p0 $0x0, s1;
	[sflag:s0] =	ssyncset.done @!p0 $0x0  }
0x64: {  	[sflag:s0] =	ssyncadd.s32 @!p0 s1  }
0x65: {  	[bflag:$0x3] =	sbarrier.arrive $0xFFFF  }
0x66: {  	_ =	shalt  }

</sc_bundles>
